<compile_context>
chip_gen: v7x
topology: tpu7x:2x2x1
jax: 0.10.2.dev20260603
libtpu: 0.0.44.dev20260713+nightly
codegen_flags: <defaults>
</compile_context>

<pallas_src>
import functools

import jax
import jax.numpy as jnp
from jax import lax
from jax.experimental import pallas as pl
from jax.experimental.pallas import tpu as pltpu
from jax.experimental.pallas import tpu_sc as plsc

B = 425984
D = 64
NC = 2
NS = 16
NW = NC * NS
BPW = B // NW
CH = 128
NCHUNK = BPW // CH
K = 4
NG = NCHUNK // K
NP = NG // 2

_mesh = plsc.VectorSubcoreMesh(core_axis_name="c", subcore_axis_name="s")


@functools.partial(
    pl.kernel,
    out_type=jax.ShapeDtypeStruct((B, D), jnp.float32),
    mesh=_mesh,
    scratch_types=[
        pltpu.VMEM((NCHUNK, CH), jnp.int32),
        pltpu.VMEM((K, CH, D), jnp.float32),
        pltpu.VMEM((K, CH, D), jnp.float32),
        pltpu.SemaphoreType.DMA,
        pltpu.SemaphoreType.DMA,
        pltpu.SemaphoreType.DMA,
        pltpu.SemaphoreType.DMA,
    ],
    compiler_params=pltpu.CompilerParams(use_tc_tiling_on_sc=False),
)
def _gather_kernel(idx_hbm, table_hbm, out_hbm, idx_v, rows0, rows1,
                   gsem0, gsem1, wsem0, wsem1):
    wid = lax.axis_index("s") * NC + lax.axis_index("c")
    base = wid * BPW
    pltpu.sync_copy(idx_hbm.at[wid], idx_v)

    def fire_gathers(g, rows, gsem):
        for b in range(K):
            pltpu.async_copy(table_hbm.at[idx_v.at[g * K + b]], rows.at[b], gsem)

    def drain_gathers(g, rows, gsem):
        for b in range(K):
            pltpu.make_async_copy(
                table_hbm.at[idx_v.at[g * K + b]], rows.at[b], gsem).wait()

    def fire_writes(g, rows, wsem):
        for b in range(K):
            pltpu.async_copy(
                rows.at[b], out_hbm.at[pl.ds(base + (g * K + b) * CH, CH)], wsem)

    def drain_writes(g, rows, wsem):
        for b in range(K):
            pltpu.make_async_copy(
                rows.at[b], out_hbm.at[pl.ds(base + (g * K + b) * CH, CH)],
                wsem).wait()

    fire_gathers(0, rows0, gsem0)
    fire_gathers(1, rows1, gsem1)

    def body(p, carry):
        drain_gathers(2 * p, rows0, gsem0)
        fire_writes(2 * p, rows0, wsem0)
        drain_gathers(2 * p + 1, rows1, gsem1)
        fire_writes(2 * p + 1, rows1, wsem1)
        drain_writes(2 * p, rows0, wsem0)
        fire_gathers(2 * p + 2, rows0, gsem0)
        drain_writes(2 * p + 1, rows1, wsem1)
        fire_gathers(2 * p + 3, rows1, gsem1)
        return carry

    lax.fori_loop(0, NP - 1, body, 0)

    p = NP - 1
    drain_gathers(2 * p, rows0, gsem0)
    fire_writes(2 * p, rows0, wsem0)
    drain_gathers(2 * p + 1, rows1, gsem1)
    fire_writes(2 * p + 1, rows1, wsem1)
    drain_writes(2 * p, rows0, wsem0)
    drain_writes(2 * p + 1, rows1, wsem1)


def kernel(nodes, kg_features):
    idx = nodes.astype(jnp.int32).reshape(NW, NCHUNK, CH)
    return _gather_kernel(idx, kg_features)

# --- scband reference (transcript-rebuilt; emitter-appended) ---
"""Pipeline reference for scband-graph-feature-14826227106006 (READ-ONLY COPY).

The authoritative reference and input builder live on the scoring server;
editing this copy changes nothing except your own understanding.
"""

import jax, jax.numpy as jnp
import numpy as np


def setup_inputs(seed: int = 0) -> dict:
    key = jax.random.key(seed)
    k1, k2 = jax.random.split(key)
    nodes = jax.random.randint(k1, (425984,), 0, 1000000, dtype=jnp.int64 if jax.config.jax_enable_x64 else jnp.int32)
    kg_features = jax.random.normal(k2, (1000000, 64), dtype=jnp.float32)
    return {"nodes": nodes, "kg_features": kg_features}


def reference(nodes, kg_features):
    # GraphFeature.forward with self.features == None:
    #   return kg.features[nodes, :]
    return kg_features[nodes, :]

if __name__ == "__main__":
    import jax
    _d = setup_inputs()
    print(jax.jit(kernel)(*tuple(_d.values())))

</pallas_src>

<mosaic_0001>
#map = affine_map<(d0, d1) -> (0, 0, 0)>
#map1 = affine_map<(d0, d1) -> (0, 0)>
module attributes {stable_mosaic.version = 14 : i64} {
  func.func @_gather_kernel(%arg0: i32, %arg1: i32, %arg2: memref<32x104x128xi32, #tpu.memory_space<hbm>>, %arg3: memref<1000000x64xf32, #tpu.memory_space<hbm>>, %arg4: memref<425984x64xf32, #tpu.memory_space<hbm>>, %arg5: memref<104x128xi32, #tpu.memory_space<vmem>>, %arg6: memref<4x128x64xf32, #tpu.memory_space<vmem>>, %arg7: memref<4x128x64xf32, #tpu.memory_space<vmem>>, %arg8: memref<!tpu.dma_semaphore, #tpu.memory_space<semaphore_mem>>, %arg9: memref<!tpu.dma_semaphore, #tpu.memory_space<semaphore_mem>>, %arg10: memref<!tpu.dma_semaphore, #tpu.memory_space<semaphore_mem>>, %arg11: memref<!tpu.dma_semaphore, #tpu.memory_space<semaphore_mem>>) attributes {dimension_semantics = [#tpu.dimension_semantics<core_parallel>, #tpu.dimension_semantics<subcore_parallel>], iteration_bounds = array<i64: 2, 16>, scalar_prefetch = 0 : i64, scratch_operands = 7 : i64, tpu.core_type = #tpu.core_type<sc_vector_subcore>, window_params = [{transform_indices = #map}, {transform_indices = #map1}, {transform_indices = #map1}]} {
    %mul3A = arith.constant 2 : i32
    %mul3A_0 = arith.muli %arg1, %mul3A : i32
    %add3A = arith.addi %mul3A_0, %arg0 : i32
    %mul3A_1 = arith.constant 13312 : i32
    %mul3A_2 = arith.muli %add3A, %mul3A_1 : i32
    "tpu.region"() ({
      %run_scoped3A = tpu.sem_alloc : memref<!tpu.dma_semaphore, #tpu.memory_space<semaphore_mem>>
      %dma_start3A_438 = arith.constant 0 : i32
      %dma_start3A_439 = arith.constant 0 : i32
      %dma_start3A_440 = tpu.memref_slice %arg2[%add3A, %dma_start3A_438, %dma_start3A_439] : memref<32x104x128xi32, #tpu.memory_space<hbm>> -> memref<1x104x128xi32, #tpu.memory_space<hbm>>
      %dma_start3A_441 = tpu.memref_squeeze %dma_start3A_440 : memref<1x104x128xi32, #tpu.memory_space<hbm>> -> memref<104x128xi32, #tpu.memory_space<hbm>>
      %dma_start3A_442 = arith.constant 0 : i32
      %dma_start3A_443 = arith.constant 0 : i32
      %dma_start3A_444 = tpu.memref_slice %arg2[%add3A, %dma_start3A_442, %dma_start3A_443] : memref<32x104x128xi32, #tpu.memory_space<hbm>> -> memref<1x104x128xi32, #tpu.memory_space<hbm>>
      %dma_start3A_445 = tpu.memref_squeeze %dma_start3A_444 : memref<1x104x128xi32, #tpu.memory_space<hbm>> -> memref<104x128xi32, #tpu.memory_space<hbm>>
      tpu.enqueue_dma source(%dma_start3A_445 : memref<104x128xi32, #tpu.memory_space<hbm>>) target(%arg5 : memref<104x128xi32, #tpu.memory_space<vmem>>) target_semaphore(%run_scoped3A : memref<!tpu.dma_semaphore, #tpu.memory_space<semaphore_mem>>)
      %dma_wait3A_446 = arith.constant 0 : i32
      %dma_wait3A_447 = arith.constant 0 : i32
      %dma_wait3A_448 = tpu.memref_slice %arg2[%add3A, %dma_wait3A_446, %dma_wait3A_447] : memref<32x104x128xi32, #tpu.memory_space<hbm>> -> memref<1x104x128xi32, #tpu.memory_space<hbm>>
      %dma_wait3A_449 = tpu.memref_squeeze %dma_wait3A_448 : memref<1x104x128xi32, #tpu.memory_space<hbm>> -> memref<104x128xi32, #tpu.memory_space<hbm>>
      %dma_wait3A_450 = arith.constant 0 : i32
      %dma_wait3A_451 = arith.constant 0 : i32
      %dma_wait3A_452 = tpu.memref_slice %arg2[%add3A, %dma_wait3A_450, %dma_wait3A_451] : memref<32x104x128xi32, #tpu.memory_space<hbm>> -> memref<1x104x128xi32, #tpu.memory_space<hbm>>
      %dma_wait3A_453 = tpu.memref_squeeze %dma_wait3A_452 : memref<1x104x128xi32, #tpu.memory_space<hbm>> -> memref<104x128xi32, #tpu.memory_space<hbm>>
      tpu.wait_dma2 semaphore(%run_scoped3A : memref<!tpu.dma_semaphore, #tpu.memory_space<semaphore_mem>>) src(%dma_wait3A_453 : memref<104x128xi32, #tpu.memory_space<hbm>>) dst(%arg5 : memref<104x128xi32, #tpu.memory_space<vmem>>)
      tpu.yield
    }) : () -> ()
    %dma_start3A = arith.constant 0 : i32
    %dma_start3A_3 = arith.constant 0 : i32
    %dma_start3A_4 = arith.constant 0 : i32
    %dma_start3A_5 = arith.constant 0 : i32
    %dma_start3A_6 = tpu.memref_slice %arg6[%dma_start3A_3, %dma_start3A_4, %dma_start3A_5] : memref<4x128x64xf32, #tpu.memory_space<vmem>> -> memref<1x128x64xf32, #tpu.memory_space<vmem>>
    %dma_start3A_7 = tpu.memref_squeeze %dma_start3A_6 : memref<1x128x64xf32, #tpu.memory_space<vmem>> -> memref<128x64xf32, #tpu.memory_space<vmem>>
    %dma_start3A_8 = arith.constant 0 : i32
    %dma_start3A_9 = tpu.memref_slice %arg5[%dma_start3A, %dma_start3A_8] : memref<104x128xi32, #tpu.memory_space<vmem>> -> memref<1x128xi32, #tpu.memory_space<vmem>>
    %dma_start3A_10 = tpu.memref_squeeze %dma_start3A_9 : memref<1x128xi32, #tpu.memory_space<vmem>> -> memref<128xi32, #tpu.memory_space<vmem>>
    %dma_start3A_11 = arith.constant 0 : i32
    %dma_start3A_12 = arith.constant 0 : i32
    %dma_start3A_13 = tpu.memref_slice %arg3[%dma_start3A_11, %dma_start3A_12] : memref<1000000x64xf32, #tpu.memory_space<hbm>> -> memref<1000000x64xf32, #tpu.memory_space<hbm>>
    tpu.enqueue_indirect_dma source(%dma_start3A_13 : memref<1000000x64xf32, #tpu.memory_space<hbm>>) target(%dma_start3A_7 : memref<128x64xf32, #tpu.memory_space<vmem>>) offsets(%dma_start3A_10 : memref<128xi32, #tpu.memory_space<vmem>>) semaphore(%arg8 : memref<!tpu.dma_semaphore, #tpu.memory_space<semaphore_mem>>)
    %dma_start3A_14 = arith.constant 1 : i32
    %dma_start3A_15 = arith.constant 1 : i32
    %dma_start3A_16 = arith.constant 0 : i32
    %dma_start3A_17 = arith.constant 0 : i32
    %dma_start3A_18 = tpu.memref_slice %arg6[%dma_start3A_15, %dma_start3A_16, %dma_start3A_17] : memref<4x128x64xf32, #tpu.memory_space<vmem>> -> memref<1x128x64xf32, #tpu.memory_space<vmem>>
    %dma_start3A_19 = tpu.memref_squeeze %dma_start3A_18 : memref<1x128x64xf32, #tpu.memory_space<vmem>> -> memref<128x64xf32, #tpu.memory_space<vmem>>
    %dma_start3A_20 = arith.constant 0 : i32
    %dma_start3A_21 = tpu.memref_slice %arg5[%dma_start3A_14, %dma_start3A_20] : memref<104x128xi32, #tpu.memory_space<vmem>> -> memref<1x128xi32, #tpu.memory_space<vmem>>
    %dma_start3A_22 = tpu.memref_squeeze %dma_start3A_21 : memref<1x128xi32, #tpu.memory_space<vmem>> -> memref<128xi32, #tpu.memory_space<vmem>>
    %dma_start3A_23 = arith.constant 0 : i32
    %dma_start3A_24 = arith.constant 0 : i32
    %dma_start3A_25 = tpu.memref_slice %arg3[%dma_start3A_23, %dma_start3A_24] : memref<1000000x64xf32, #tpu.memory_space<hbm>> -> memref<1000000x64xf32, #tpu.memory_space<hbm>>
    tpu.enqueue_indirect_dma source(%dma_start3A_25 : memref<1000000x64xf32, #tpu.memory_space<hbm>>) target(%dma_start3A_19 : memref<128x64xf32, #tpu.memory_space<vmem>>) offsets(%dma_start3A_22 : memref<128xi32, #tpu.memory_space<vmem>>) semaphore(%arg8 : memref<!tpu.dma_semaphore, #tpu.memory_space<semaphore_mem>>)
    %dma_start3A_26 = arith.constant 2 : i32
    %dma_start3A_27 = arith.constant 2 : i32
    %dma_start3A_28 = arith.constant 0 : i32
    %dma_start3A_29 = arith.constant 0 : i32
    %dma_start3A_30 = tpu.memref_slice %arg6[%dma_start3A_27, %dma_start3A_28, %dma_start3A_29] : memref<4x128x64xf32, #tpu.memory_space<vmem>> -> memref<1x128x64xf32, #tpu.memory_space<vmem>>
    %dma_start3A_31 = tpu.memref_squeeze %dma_start3A_30 : memref<1x128x64xf32, #tpu.memory_space<vmem>> -> memref<128x64xf32, #tpu.memory_space<vmem>>
    %dma_start3A_32 = arith.constant 0 : i32
    %dma_start3A_33 = tpu.memref_slice %arg5[%dma_start3A_26, %dma_start3A_32] : memref<104x128xi32, #tpu.memory_space<vmem>> -> memref<1x128xi32, #tpu.memory_space<vmem>>
    %dma_start3A_34 = tpu.memref_squeeze %dma_start3A_33 : memref<1x128xi32, #tpu.memory_space<vmem>> -> memref<128xi32, #tpu.memory_space<vmem>>
    %dma_start3A_35 = arith.constant 0 : i32
    %dma_start3A_36 = arith.constant 0 : i32
    %dma_start3A_37 = tpu.memref_slice %arg3[%dma_start3A_35, %dma_start3A_36] : memref<1000000x64xf32, #tpu.memory_space<hbm>> -> memref<1000000x64xf32, #tpu.memory_space<hbm>>
    tpu.enqueue_indirect_dma source(%dma_start3A_37 : memref<1000000x64xf32, #tpu.memory_space<hbm>>) target(%dma_start3A_31 : memref<128x64xf32, #tpu.memory_space<vmem>>) offsets(%dma_start3A_34 : memref<128xi32, #tpu.memory_space<vmem>>) semaphore(%arg8 : memref<!tpu.dma_semaphore, #tpu.memory_space<semaphore_mem>>)
    %dma_start3A_38 = arith.constant 3 : i32
    %dma_start3A_39 = arith.constant 3 : i32
    %dma_start3A_40 = arith.constant 0 : i32
    %dma_start3A_41 = arith.constant 0 : i32
    %dma_start3A_42 = tpu.memref_slice %arg6[%dma_start3A_39, %dma_start3A_40, %dma_start3A_41] : memref<4x128x64xf32, #tpu.memory_space<vmem>> -> memref<1x128x64xf32, #tpu.memory_space<vmem>>
    %dma_start3A_43 = tpu.memref_squeeze %dma_start3A_42 : memref<1x128x64xf32, #tpu.memory_space<vmem>> -> memref<128x64xf32, #tpu.memory_space<vmem>>
    %dma_start3A_44 = arith.constant 0 : i32
    %dma_start3A_45 = tpu.memref_slice %arg5[%dma_start3A_38, %dma_start3A_44] : memref<104x128xi32, #tpu.memory_space<vmem>> -> memref<1x128xi32, #tpu.memory_space<vmem>>
    %dma_start3A_46 = tpu.memref_squeeze %dma_start3A_45 : memref<1x128xi32, #tpu.memory_space<vmem>> -> memref<128xi32, #tpu.memory_space<vmem>>
    %dma_start3A_47 = arith.constant 0 : i32
    %dma_start3A_48 = arith.constant 0 : i32
    %dma_start3A_49 = tpu.memref_slice %arg3[%dma_start3A_47, %dma_start3A_48] : memref<1000000x64xf32, #tpu.memory_space<hbm>> -> memref<1000000x64xf32, #tpu.memory_space<hbm>>
    tpu.enqueue_indirect_dma source(%dma_start3A_49 : memref<1000000x64xf32, #tpu.memory_space<hbm>>) target(%dma_start3A_43 : memref<128x64xf32, #tpu.memory_space<vmem>>) offsets(%dma_start3A_46 : memref<128xi32, #tpu.memory_space<vmem>>) semaphore(%arg8 : memref<!tpu.dma_semaphore, #tpu.memory_space<semaphore_mem>>)
    %dma_start3A_50 = arith.constant 4 : i32
    %dma_start3A_51 = arith.constant 0 : i32
    %dma_start3A_52 = arith.constant 0 : i32
    %dma_start3A_53 = arith.constant 0 : i32
    %dma_start3A_54 = tpu.memref_slice %arg7[%dma_start3A_51, %dma_start3A_52, %dma_start3A_53] : memref<4x128x64xf32, #tpu.memory_space<vmem>> -> memref<1x128x64xf32, #tpu.memory_space<vmem>>
    %dma_start3A_55 = tpu.memref_squeeze %dma_start3A_54 : memref<1x128x64xf32, #tpu.memory_space<vmem>> -> memref<128x64xf32, #tpu.memory_space<vmem>>
    %dma_start3A_56 = arith.constant 0 : i32
    %dma_start3A_57 = tpu.memref_slice %arg5[%dma_start3A_50, %dma_start3A_56] : memref<104x128xi32, #tpu.memory_space<vmem>> -> memref<1x128xi32, #tpu.memory_space<vmem>>
    %dma_start3A_58 = tpu.memref_squeeze %dma_start3A_57 : memref<1x128xi32, #tpu.memory_space<vmem>> -> memref<128xi32, #tpu.memory_space<vmem>>
    %dma_start3A_59 = arith.constant 0 : i32
    %dma_start3A_60 = arith.constant 0 : i32
    %dma_start3A_61 = tpu.memref_slice %arg3[%dma_start3A_59, %dma_start3A_60] : memref<1000000x64xf32, #tpu.memory_space<hbm>> -> memref<1000000x64xf32, #tpu.memory_space<hbm>>
    tpu.enqueue_indirect_dma source(%dma_start3A_61 : memref<1000000x64xf32, #tpu.memory_space<hbm>>) target(%dma_start3A_55 : memref<128x64xf32, #tpu.memory_space<vmem>>) offsets(%dma_start3A_58 : memref<128xi32, #tpu.memory_space<vmem>>) semaphore(%arg9 : memref<!tpu.dma_semaphore, #tpu.memory_space<semaphore_mem>>)
    %dma_start3A_62 = arith.constant 5 : i32
    %dma_start3A_63 = arith.constant 1 : i32
    %dma_start3A_64 = arith.constant 0 : i32
    %dma_start3A_65 = arith.constant 0 : i32
    %dma_start3A_66 = tpu.memref_slice %arg7[%dma_start3A_63, %dma_start3A_64, %dma_start3A_65] : memref<4x128x64xf32, #tpu.memory_space<vmem>> -> memref<1x128x64xf32, #tpu.memory_space<vmem>>
    %dma_start3A_67 = tpu.memref_squeeze %dma_start3A_66 : memref<1x128x64xf32, #tpu.memory_space<vmem>> -> memref<128x64xf32, #tpu.memory_space<vmem>>
    %dma_start3A_68 = arith.constant 0 : i32
    %dma_start3A_69 = tpu.memref_slice %arg5[%dma_start3A_62, %dma_start3A_68] : memref<104x128xi32, #tpu.memory_space<vmem>> -> memref<1x128xi32, #tpu.memory_space<vmem>>
    %dma_start3A_70 = tpu.memref_squeeze %dma_start3A_69 : memref<1x128xi32, #tpu.memory_space<vmem>> -> memref<128xi32, #tpu.memory_space<vmem>>
    %dma_start3A_71 = arith.constant 0 : i32
    %dma_start3A_72 = arith.constant 0 : i32
    %dma_start3A_73 = tpu.memref_slice %arg3[%dma_start3A_71, %dma_start3A_72] : memref<1000000x64xf32, #tpu.memory_space<hbm>> -> memref<1000000x64xf32, #tpu.memory_space<hbm>>
    tpu.enqueue_indirect_dma source(%dma_start3A_73 : memref<1000000x64xf32, #tpu.memory_space<hbm>>) target(%dma_start3A_67 : memref<128x64xf32, #tpu.memory_space<vmem>>) offsets(%dma_start3A_70 : memref<128xi32, #tpu.memory_space<vmem>>) semaphore(%arg9 : memref<!tpu.dma_semaphore, #tpu.memory_space<semaphore_mem>>)
    %dma_start3A_74 = arith.constant 6 : i32
    %dma_start3A_75 = arith.constant 2 : i32
    %dma_start3A_76 = arith.constant 0 : i32
    %dma_start3A_77 = arith.constant 0 : i32
    %dma_start3A_78 = tpu.memref_slice %arg7[%dma_start3A_75, %dma_start3A_76, %dma_start3A_77] : memref<4x128x64xf32, #tpu.memory_space<vmem>> -> memref<1x128x64xf32, #tpu.memory_space<vmem>>
    %dma_start3A_79 = tpu.memref_squeeze %dma_start3A_78 : memref<1x128x64xf32, #tpu.memory_space<vmem>> -> memref<128x64xf32, #tpu.memory_space<vmem>>
    %dma_start3A_80 = arith.constant 0 : i32
    %dma_start3A_81 = tpu.memref_slice %arg5[%dma_start3A_74, %dma_start3A_80] : memref<104x128xi32, #tpu.memory_space<vmem>> -> memref<1x128xi32, #tpu.memory_space<vmem>>
    %dma_start3A_82 = tpu.memref_squeeze %dma_start3A_81 : memref<1x128xi32, #tpu.memory_space<vmem>> -> memref<128xi32, #tpu.memory_space<vmem>>
    %dma_start3A_83 = arith.constant 0 : i32
    %dma_start3A_84 = arith.constant 0 : i32
    %dma_start3A_85 = tpu.memref_slice %arg3[%dma_start3A_83, %dma_start3A_84] : memref<1000000x64xf32, #tpu.memory_space<hbm>> -> memref<1000000x64xf32, #tpu.memory_space<hbm>>
    tpu.enqueue_indirect_dma source(%dma_start3A_85 : memref<1000000x64xf32, #tpu.memory_space<hbm>>) target(%dma_start3A_79 : memref<128x64xf32, #tpu.memory_space<vmem>>) offsets(%dma_start3A_82 : memref<128xi32, #tpu.memory_space<vmem>>) semaphore(%arg9 : memref<!tpu.dma_semaphore, #tpu.memory_space<semaphore_mem>>)
    %dma_start3A_86 = arith.constant 7 : i32
    %dma_start3A_87 = arith.constant 3 : i32
    %dma_start3A_88 = arith.constant 0 : i32
    %dma_start3A_89 = arith.constant 0 : i32
    %dma_start3A_90 = tpu.memref_slice %arg7[%dma_start3A_87, %dma_start3A_88, %dma_start3A_89] : memref<4x128x64xf32, #tpu.memory_space<vmem>> -> memref<1x128x64xf32, #tpu.memory_space<vmem>>
    %dma_start3A_91 = tpu.memref_squeeze %dma_start3A_90 : memref<1x128x64xf32, #tpu.memory_space<vmem>> -> memref<128x64xf32, #tpu.memory_space<vmem>>
    %dma_start3A_92 = arith.constant 0 : i32
    %dma_start3A_93 = tpu.memref_slice %arg5[%dma_start3A_86, %dma_start3A_92] : memref<104x128xi32, #tpu.memory_space<vmem>> -> memref<1x128xi32, #tpu.memory_space<vmem>>
    %dma_start3A_94 = tpu.memref_squeeze %dma_start3A_93 : memref<1x128xi32, #tpu.memory_space<vmem>> -> memref<128xi32, #tpu.memory_space<vmem>>
    %dma_start3A_95 = arith.constant 0 : i32
    %dma_start3A_96 = arith.constant 0 : i32
    %dma_start3A_97 = tpu.memref_slice %arg3[%dma_start3A_95, %dma_start3A_96] : memref<1000000x64xf32, #tpu.memory_space<hbm>> -> memref<1000000x64xf32, #tpu.memory_space<hbm>>
    tpu.enqueue_indirect_dma source(%dma_start3A_97 : memref<1000000x64xf32, #tpu.memory_space<hbm>>) target(%dma_start3A_91 : memref<128x64xf32, #tpu.memory_space<vmem>>) offsets(%dma_start3A_94 : memref<128xi32, #tpu.memory_space<vmem>>) semaphore(%arg9 : memref<!tpu.dma_semaphore, #tpu.memory_space<semaphore_mem>>)
    %scan3A = arith.constant 0 : i32
    %scan3A_98 = arith.constant 0 : i32
    %scan3A_99 = arith.constant 12 : i32
    %scan3A_100 = arith.addi %scan3A_98, %scan3A_99 : i32
    %scan3A_101 = arith.constant 1 : i32
    scf.for %scan3A_438 = %scan3A_98 to %scan3A_100 step %scan3A_101  : i32 {
      %mul3A_439 = arith.constant 2 : i32
      %mul3A_440 = arith.muli %mul3A_439, %scan3A_438 : i32
      %mul3A_441 = arith.constant 4 : i32
      %mul3A_442 = arith.muli %mul3A_440, %mul3A_441 : i32
      %add3A_443 = arith.constant 0 : i32
      %add3A_444 = arith.addi %mul3A_442, %add3A_443 : i32
      %dma_wait3A_445 = arith.constant 0 : i32
      %dma_wait3A_446 = arith.constant 0 : i32
      %dma_wait3A_447 = arith.constant 0 : i32
      %dma_wait3A_448 = tpu.memref_slice %arg6[%dma_wait3A_445, %dma_wait3A_446, %dma_wait3A_447] : memref<4x128x64xf32, #tpu.memory_space<vmem>> -> memref<1x128x64xf32, #tpu.memory_space<vmem>>
      %dma_wait3A_449 = tpu.memref_squeeze %dma_wait3A_448 : memref<1x128x64xf32, #tpu.memory_space<vmem>> -> memref<128x64xf32, #tpu.memory_space<vmem>>
      %dma_wait3A_450 = arith.constant 0 : i32
      %dma_wait3A_451 = tpu.memref_slice %arg5[%add3A_444, %dma_wait3A_450] : memref<104x128xi32, #tpu.memory_space<vmem>> -> memref<1x128xi32, #tpu.memory_space<vmem>>
      %dma_wait3A_452 = tpu.memref_squeeze %dma_wait3A_451 : memref<1x128xi32, #tpu.memory_space<vmem>> -> memref<128xi32, #tpu.memory_space<vmem>>
      %dma_wait3A_453 = arith.constant 0 : i32
      %dma_wait3A_454 = arith.constant 0 : i32
      %dma_wait3A_455 = tpu.memref_slice %arg3[%dma_wait3A_453, %dma_wait3A_454] : memref<1000000x64xf32, #tpu.memory_space<hbm>> -> memref<1000000x64xf32, #tpu.memory_space<hbm>>
      tpu.wait_indirect_dma semaphore(%arg8 : memref<!tpu.dma_semaphore, #tpu.memory_space<semaphore_mem>>) src(%dma_wait3A_455 : memref<1000000x64xf32, #tpu.memory_space<hbm>>) dst(%dma_wait3A_449 : memref<128x64xf32, #tpu.memory_space<vmem>>)
      %mul3A_456 = arith.constant 4 : i32
      %mul3A_457 = arith.muli %mul3A_440, %mul3A_456 : i32
      %add3A_458 = arith.constant 1 : i32
      %add3A_459 = arith.addi %mul3A_457, %add3A_458 : i32
      %dma_wait3A_460 = arith.constant 1 : i32
      %dma_wait3A_461 = arith.constant 0 : i32
      %dma_wait3A_462 = arith.constant 0 : i32
      %dma_wait3A_463 = tpu.memref_slice %arg6[%dma_wait3A_460, %dma_wait3A_461, %dma_wait3A_462] : memref<4x128x64xf32, #tpu.memory_space<vmem>> -> memref<1x128x64xf32, #tpu.memory_space<vmem>>
      %dma_wait3A_464 = tpu.memref_squeeze %dma_wait3A_463 : memref<1x128x64xf32, #tpu.memory_space<vmem>> -> memref<128x64xf32, #tpu.memory_space<vmem>>
      %dma_wait3A_465 = arith.constant 0 : i32
      %dma_wait3A_466 = tpu.memref_slice %arg5[%add3A_459, %dma_wait3A_465] : memref<104x128xi32, #tpu.memory_space<vmem>> -> memref<1x128xi32, #tpu.memory_space<vmem>>
      %dma_wait3A_467 = tpu.memref_squeeze %dma_wait3A_466 : memref<1x128xi32, #tpu.memory_space<vmem>> -> memref<128xi32, #tpu.memory_space<vmem>>
      %dma_wait3A_468 = arith.constant 0 : i32
      %dma_wait3A_469 = arith.constant 0 : i32
      %dma_wait3A_470 = tpu.memref_slice %arg3[%dma_wait3A_468, %dma_wait3A_469] : memref<1000000x64xf32, #tpu.memory_space<hbm>> -> memref<1000000x64xf32, #tpu.memory_space<hbm>>
      tpu.wait_indirect_dma semaphore(%arg8 : memref<!tpu.dma_semaphore, #tpu.memory_space<semaphore_mem>>) src(%dma_wait3A_470 : memref<1000000x64xf32, #tpu.memory_space<hbm>>) dst(%dma_wait3A_464 : memref<128x64xf32, #tpu.memory_space<vmem>>)
      %mul3A_471 = arith.constant 4 : i32
      %mul3A_472 = arith.muli %mul3A_440, %mul3A_471 : i32
      %add3A_473 = arith.constant 2 : i32
      %add3A_474 = arith.addi %mul3A_472, %add3A_473 : i32
      %dma_wait3A_475 = arith.constant 2 : i32
      %dma_wait3A_476 = arith.constant 0 : i32
      %dma_wait3A_477 = arith.constant 0 : i32
      %dma_wait3A_478 = tpu.memref_slice %arg6[%dma_wait3A_475, %dma_wait3A_476, %dma_wait3A_477] : memref<4x128x64xf32, #tpu.memory_space<vmem>> -> memref<1x128x64xf32, #tpu.memory_space<vmem>>
      %dma_wait3A_479 = tpu.memref_squeeze %dma_wait3A_478 : memref<1x128x64xf32, #tpu.memory_space<vmem>> -> memref<128x64xf32, #tpu.memory_space<vmem>>
      %dma_wait3A_480 = arith.constant 0 : i32
      %dma_wait3A_481 = tpu.memref_slice %arg5[%add3A_474, %dma_wait3A_480] : memref<104x128xi32, #tpu.memory_space<vmem>> -> memref<1x128xi32, #tpu.memory_space<vmem>>
      %dma_wait3A_482 = tpu.memref_squeeze %dma_wait3A_481 : memref<1x128xi32, #tpu.memory_space<vmem>> -> memref<128xi32, #tpu.memory_space<vmem>>
      %dma_wait3A_483 = arith.constant 0 : i32
      %dma_wait3A_484 = arith.constant 0 : i32
      %dma_wait3A_485 = tpu.memref_slice %arg3[%dma_wait3A_483, %dma_wait3A_484] : memref<1000000x64xf32, #tpu.memory_space<hbm>> -> memref<1000000x64xf32, #tpu.memory_space<hbm>>
      tpu.wait_indirect_dma semaphore(%arg8 : memref<!tpu.dma_semaphore, #tpu.memory_space<semaphore_mem>>) src(%dma_wait3A_485 : memref<1000000x64xf32, #tpu.memory_space<hbm>>) dst(%dma_wait3A_479 : memref<128x64xf32, #tpu.memory_space<vmem>>)
      %mul3A_486 = arith.constant 4 : i32
      %mul3A_487 = arith.muli %mul3A_440, %mul3A_486 : i32
      %add3A_488 = arith.constant 3 : i32
      %add3A_489 = arith.addi %mul3A_487, %add3A_488 : i32
      %dma_wait3A_490 = arith.constant 3 : i32
      %dma_wait3A_491 = arith.constant 0 : i32
      %dma_wait3A_492 = arith.constant 0 : i32
      %dma_wait3A_493 = tpu.memref_slice %arg6[%dma_wait3A_490, %dma_wait3A_491, %dma_wait3A_492] : memref<4x128x64xf32, #tpu.memory_space<vmem>> -> memref<1x128x64xf32, #tpu.memory_space<vmem>>
      %dma_wait3A_494 = tpu.memref_squeeze %dma_wait3A_493 : memref<1x128x64xf32, #tpu.memory_space<vmem>> -> memref<128x64xf32, #tpu.memory_space<vmem>>
      %dma_wait3A_495 = arith.constant 0 : i32
      %dma_wait3A_496 = tpu.memref_slice %arg5[%add3A_489, %dma_wait3A_495] : memref<104x128xi32, #tpu.memory_space<vmem>> -> memref<1x128xi32, #tpu.memory_space<vmem>>
      %dma_wait3A_497 = tpu.memref_squeeze %dma_wait3A_496 : memref<1x128xi32, #tpu.memory_space<vmem>> -> memref<128xi32, #tpu.memory_space<vmem>>
      %dma_wait3A_498 = arith.constant 0 : i32
      %dma_wait3A_499 = arith.constant 0 : i32
      %dma_wait3A_500 = tpu.memref_slice %arg3[%dma_wait3A_498, %dma_wait3A_499] : memref<1000000x64xf32, #tpu.memory_space<hbm>> -> memref<1000000x64xf32, #tpu.memory_space<hbm>>
      tpu.wait_indirect_dma semaphore(%arg8 : memref<!tpu.dma_semaphore, #tpu.memory_space<semaphore_mem>>) src(%dma_wait3A_500 : memref<1000000x64xf32, #tpu.memory_space<hbm>>) dst(%dma_wait3A_494 : memref<128x64xf32, #tpu.memory_space<vmem>>)
      %mul3A_501 = arith.constant 2 : i32
      %mul3A_502 = arith.muli %mul3A_501, %scan3A_438 : i32
      %mul3A_503 = arith.constant 4 : i32
      %mul3A_504 = arith.muli %mul3A_502, %mul3A_503 : i32
      %add3A_505 = arith.constant 0 : i32
      %add3A_506 = arith.addi %mul3A_504, %add3A_505 : i32
      %mul3A_507 = arith.constant 128 : i32
      %mul3A_508 = arith.muli %add3A_506, %mul3A_507 : i32
      %add3A_509 = arith.addi %mul3A_2, %mul3A_508 : i32
      %dma_start3A_510 = arith.constant 0 : i32
      %dma_start3A_511 = arith.constant 0 : i32
      %dma_start3A_512 = arith.constant 0 : i32
      %dma_start3A_513 = tpu.memref_slice %arg6[%dma_start3A_510, %dma_start3A_511, %dma_start3A_512] : memref<4x128x64xf32, #tpu.memory_space<vmem>> -> memref<1x128x64xf32, #tpu.memory_space<vmem>>
      %dma_start3A_514 = tpu.memref_squeeze %dma_start3A_513 : memref<1x128x64xf32, #tpu.memory_space<vmem>> -> memref<128x64xf32, #tpu.memory_space<vmem>>
      %dma_start3A_515 = arith.constant 0 : i32
      %dma_start3A_516 = tpu.memref_slice %arg4[%add3A_509, %dma_start3A_515] : memref<425984x64xf32, #tpu.memory_space<hbm>> -> memref<128x64xf32, #tpu.memory_space<hbm>>
      %dma_start3A_517 = arith.constant 0 : i32
      %dma_start3A_518 = tpu.memref_slice %arg4[%add3A_509, %dma_start3A_517] : memref<425984x64xf32, #tpu.memory_space<hbm>> -> memref<128x64xf32, #tpu.memory_space<hbm>>
      %dma_start3A_519 = arith.constant 0 : i32
      %dma_start3A_520 = arith.constant 0 : i32
      %dma_start3A_521 = tpu.memref_slice %arg6[%dma_start3A_510, %dma_start3A_519, %dma_start3A_520] : memref<4x128x64xf32, #tpu.memory_space<vmem>> -> memref<1x128x64xf32, #tpu.memory_space<vmem>>
      %dma_start3A_522 = tpu.memref_squeeze %dma_start3A_521 : memref<1x128x64xf32, #tpu.memory_space<vmem>> -> memref<128x64xf32, #tpu.memory_space<vmem>>
      tpu.enqueue_dma source(%dma_start3A_522 : memref<128x64xf32, #tpu.memory_space<vmem>>) target(%dma_start3A_518 : memref<128x64xf32, #tpu.memory_space<hbm>>) target_semaphore(%arg10 : memref<!tpu.dma_semaphore, #tpu.memory_space<semaphore_mem>>)
      %mul3A_523 = arith.constant 4 : i32
      %mul3A_524 = arith.muli %mul3A_502, %mul3A_523 : i32
      %add3A_525 = arith.constant 1 : i32
      %add3A_526 = arith.addi %mul3A_524, %add3A_525 : i32
      %mul3A_527 = arith.constant 128 : i32
      %mul3A_528 = arith.muli %add3A_526, %mul3A_527 : i32
      %add3A_529 = arith.addi %mul3A_2, %mul3A_528 : i32
      %dma_start3A_530 = arith.constant 1 : i32
      %dma_start3A_531 = arith.constant 0 : i32
      %dma_start3A_532 = arith.constant 0 : i32
      %dma_start3A_533 = tpu.memref_slice %arg6[%dma_start3A_530, %dma_start3A_531, %dma_start3A_532] : memref<4x128x64xf32, #tpu.memory_space<vmem>> -> memref<1x128x64xf32, #tpu.memory_space<vmem>>
      %dma_start3A_534 = tpu.memref_squeeze %dma_start3A_533 : memref<1x128x64xf32, #tpu.memory_space<vmem>> -> memref<128x64xf32, #tpu.memory_space<vmem>>
      %dma_start3A_535 = arith.constant 0 : i32
      %dma_start3A_536 = tpu.memref_slice %arg4[%add3A_529, %dma_start3A_535] : memref<425984x64xf32, #tpu.memory_space<hbm>> -> memref<128x64xf32, #tpu.memory_space<hbm>>
      %dma_start3A_537 = arith.constant 0 : i32
      %dma_start3A_538 = tpu.memref_slice %arg4[%add3A_529, %dma_start3A_537] : memref<425984x64xf32, #tpu.memory_space<hbm>> -> memref<128x64xf32, #tpu.memory_space<hbm>>
      %dma_start3A_539 = arith.constant 0 : i32
      %dma_start3A_540 = arith.constant 0 : i32
      %dma_start3A_541 = tpu.memref_slice %arg6[%dma_start3A_530, %dma_start3A_539, %dma_start3A_540] : memref<4x128x64xf32, #tpu.memory_space<vmem>> -> memref<1x128x64xf32, #tpu.memory_space<vmem>>
      %dma_start3A_542 = tpu.memref_squeeze %dma_start3A_541 : memref<1x128x64xf32, #tpu.memory_space<vmem>> -> memref<128x64xf32, #tpu.memory_space<vmem>>
      tpu.enqueue_dma source(%dma_start3A_542 : memref<128x64xf32, #tpu.memory_space<vmem>>) target(%dma_start3A_538 : memref<128x64xf32, #tpu.memory_space<hbm>>) target_semaphore(%arg10 : memref<!tpu.dma_semaphore, #tpu.memory_space<semaphore_mem>>)
      %mul3A_543 = arith.constant 4 : i32
      %mul3A_544 = arith.muli %mul3A_502, %mul3A_543 : i32
      %add3A_545 = arith.constant 2 : i32
      %add3A_546 = arith.addi %mul3A_544, %add3A_545 : i32
      %mul3A_547 = arith.constant 128 : i32
      %mul3A_548 = arith.muli %add3A_546, %mul3A_547 : i32
      %add3A_549 = arith.addi %mul3A_2, %mul3A_548 : i32
      %dma_start3A_550 = arith.constant 2 : i32
      %dma_start3A_551 = arith.constant 0 : i32
      %dma_start3A_552 = arith.constant 0 : i32
      %dma_start3A_553 = tpu.memref_slice %arg6[%dma_start3A_550, %dma_start3A_551, %dma_start3A_552] : memref<4x128x64xf32, #tpu.memory_space<vmem>> -> memref<1x128x64xf32, #tpu.memory_space<vmem>>
      %dma_start3A_554 = tpu.memref_squeeze %dma_start3A_553 : memref<1x128x64xf32, #tpu.memory_space<vmem>> -> memref<128x64xf32, #tpu.memory_space<vmem>>
      %dma_start3A_555 = arith.constant 0 : i32
      %dma_start3A_556 = tpu.memref_slice %arg4[%add3A_549, %dma_start3A_555] : memref<425984x64xf32, #tpu.memory_space<hbm>> -> memref<128x64xf32, #tpu.memory_space<hbm>>
      %dma_start3A_557 = arith.constant 0 : i32
      %dma_start3A_558 = tpu.memref_slice %arg4[%add3A_549, %dma_start3A_557] : memref<425984x64xf32, #tpu.memory_space<hbm>> -> memref<128x64xf32, #tpu.memory_space<hbm>>
      %dma_start3A_559 = arith.constant 0 : i32
      %dma_start3A_560 = arith.constant 0 : i32
      %dma_start3A_561 = tpu.memref_slice %arg6[%dma_start3A_550, %dma_start3A_559, %dma_start3A_560] : memref<4x128x64xf32, #tpu.memory_space<vmem>> -> memref<1x128x64xf32, #tpu.memory_space<vmem>>
      %dma_start3A_562 = tpu.memref_squeeze %dma_start3A_561 : memref<1x128x64xf32, #tpu.memory_space<vmem>> -> memref<128x64xf32, #tpu.memory_space<vmem>>
      tpu.enqueue_dma source(%dma_start3A_562 : memref<128x64xf32, #tpu.memory_space<vmem>>) target(%dma_start3A_558 : memref<128x64xf32, #tpu.memory_space<hbm>>) target_semaphore(%arg10 : memref<!tpu.dma_semaphore, #tpu.memory_space<semaphore_mem>>)
      %mul3A_563 = arith.constant 4 : i32
      %mul3A_564 = arith.muli %mul3A_502, %mul3A_563 : i32
      %add3A_565 = arith.constant 3 : i32
      %add3A_566 = arith.addi %mul3A_564, %add3A_565 : i32
      %mul3A_567 = arith.constant 128 : i32
      %mul3A_568 = arith.muli %add3A_566, %mul3A_567 : i32
      %add3A_569 = arith.addi %mul3A_2, %mul3A_568 : i32
      %dma_start3A_570 = arith.constant 3 : i32
      %dma_start3A_571 = arith.constant 0 : i32
      %dma_start3A_572 = arith.constant 0 : i32
      %dma_start3A_573 = tpu.memref_slice %arg6[%dma_start3A_570, %dma_start3A_571, %dma_start3A_572] : memref<4x128x64xf32, #tpu.memory_space<vmem>> -> memref<1x128x64xf32, #tpu.memory_space<vmem>>
      %dma_start3A_574 = tpu.memref_squeeze %dma_start3A_573 : memref<1x128x64xf32, #tpu.memory_space<vmem>> -> memref<128x64xf32, #tpu.memory_space<vmem>>
      %dma_start3A_575 = arith.constant 0 : i32
      %dma_start3A_576 = tpu.memref_slice %arg4[%add3A_569, %dma_start3A_575] : memref<425984x64xf32, #tpu.memory_space<hbm>> -> memref<128x64xf32, #tpu.memory_space<hbm>>
      %dma_start3A_577 = arith.constant 0 : i32
      %dma_start3A_578 = tpu.memref_slice %arg4[%add3A_569, %dma_start3A_577] : memref<425984x64xf32, #tpu.memory_space<hbm>> -> memref<128x64xf32, #tpu.memory_space<hbm>>
      %dma_start3A_579 = arith.constant 0 : i32
      %dma_start3A_580 = arith.constant 0 : i32
      %dma_start3A_581 = tpu.memref_slice %arg6[%dma_start3A_570, %dma_start3A_579, %dma_start3A_580] : memref<4x128x64xf32, #tpu.memory_space<vmem>> -> memref<1x128x64xf32, #tpu.memory_space<vmem>>
      %dma_start3A_582 = tpu.memref_squeeze %dma_start3A_581 : memref<1x128x64xf32, #tpu.memory_space<vmem>> -> memref<128x64xf32, #tpu.memory_space<vmem>>
      tpu.enqueue_dma source(%dma_start3A_582 : memref<128x64xf32, #tpu.memory_space<vmem>>) target(%dma_start3A_578 : memref<128x64xf32, #tpu.memory_space<hbm>>) target_semaphore(%arg10 : memref<!tpu.dma_semaphore, #tpu.memory_space<semaphore_mem>>)
      %mul3A_583 = arith.constant 2 : i32
      %mul3A_584 = arith.muli %mul3A_583, %scan3A_438 : i32
      %add3A_585 = arith.constant 1 : i32
      %add3A_586 = arith.addi %mul3A_584, %add3A_585 : i32
      %mul3A_587 = arith.constant 4 : i32
      %mul3A_588 = arith.muli %add3A_586, %mul3A_587 : i32
      %add3A_589 = arith.constant 0 : i32
      %add3A_590 = arith.addi %mul3A_588, %add3A_589 : i32
      %dma_wait3A_591 = arith.constant 0 : i32
      %dma_wait3A_592 = arith.constant 0 : i32
      %dma_wait3A_593 = arith.constant 0 : i32
      %dma_wait3A_594 = tpu.memref_slice %arg7[%dma_wait3A_591, %dma_wait3A_592, %dma_wait3A_593] : memref<4x128x64xf32, #tpu.memory_space<vmem>> -> memref<1x128x64xf32, #tpu.memory_space<vmem>>
      %dma_wait3A_595 = tpu.memref_squeeze %dma_wait3A_594 : memref<1x128x64xf32, #tpu.memory_space<vmem>> -> memref<128x64xf32, #tpu.memory_space<vmem>>
      %dma_wait3A_596 = arith.constant 0 : i32
      %dma_wait3A_597 = tpu.memref_slice %arg5[%add3A_590, %dma_wait3A_596] : memref<104x128xi32, #tpu.memory_space<vmem>> -> memref<1x128xi32, #tpu.memory_space<vmem>>
      %dma_wait3A_598 = tpu.memref_squeeze %dma_wait3A_597 : memref<1x128xi32, #tpu.memory_space<vmem>> -> memref<128xi32, #tpu.memory_space<vmem>>
      %dma_wait3A_599 = arith.constant 0 : i32
      %dma_wait3A_600 = arith.constant 0 : i32
      %dma_wait3A_601 = tpu.memref_slice %arg3[%dma_wait3A_599, %dma_wait3A_600] : memref<1000000x64xf32, #tpu.memory_space<hbm>> -> memref<1000000x64xf32, #tpu.memory_space<hbm>>
      tpu.wait_indirect_dma semaphore(%arg9 : memref<!tpu.dma_semaphore, #tpu.memory_space<semaphore_mem>>) src(%dma_wait3A_601 : memref<1000000x64xf32, #tpu.memory_space<hbm>>) dst(%dma_wait3A_595 : memref<128x64xf32, #tpu.memory_space<vmem>>)
      %mul3A_602 = arith.constant 4 : i32
      %mul3A_603 = arith.muli %add3A_586, %mul3A_602 : i32
      %add3A_604 = arith.constant 1 : i32
      %add3A_605 = arith.addi %mul3A_603, %add3A_604 : i32
      %dma_wait3A_606 = arith.constant 1 : i32
      %dma_wait3A_607 = arith.constant 0 : i32
      %dma_wait3A_608 = arith.constant 0 : i32
      %dma_wait3A_609 = tpu.memref_slice %arg7[%dma_wait3A_606, %dma_wait3A_607, %dma_wait3A_608] : memref<4x128x64xf32, #tpu.memory_space<vmem>> -> memref<1x128x64xf32, #tpu.memory_space<vmem>>
      %dma_wait3A_610 = tpu.memref_squeeze %dma_wait3A_609 : memref<1x128x64xf32, #tpu.memory_space<vmem>> -> memref<128x64xf32, #tpu.memory_space<vmem>>
      %dma_wait3A_611 = arith.constant 0 : i32
      %dma_wait3A_612 = tpu.memref_slice %arg5[%add3A_605, %dma_wait3A_611] : memref<104x128xi32, #tpu.memory_space<vmem>> -> memref<1x128xi32, #tpu.memory_space<vmem>>
      %dma_wait3A_613 = tpu.memref_squeeze %dma_wait3A_612 : memref<1x128xi32, #tpu.memory_space<vmem>> -> memref<128xi32, #tpu.memory_space<vmem>>
      %dma_wait3A_614 = arith.constant 0 : i32
      %dma_wait3A_615 = arith.constant 0 : i32
      %dma_wait3A_616 = tpu.memref_slice %arg3[%dma_wait3A_614, %dma_wait3A_615] : memref<1000000x64xf32, #tpu.memory_space<hbm>> -> memref<1000000x64xf32, #tpu.memory_space<hbm>>
      tpu.wait_indirect_dma semaphore(%arg9 : memref<!tpu.dma_semaphore, #tpu.memory_space<semaphore_mem>>) src(%dma_wait3A_616 : memref<1000000x64xf32, #tpu.memory_space<hbm>>) dst(%dma_wait3A_610 : memref<128x64xf32, #tpu.memory_space<vmem>>)
      %mul3A_617 = arith.constant 4 : i32
      %mul3A_618 = arith.muli %add3A_586, %mul3A_617 : i32
      %add3A_619 = arith.constant 2 : i32
      %add3A_620 = arith.addi %mul3A_618, %add3A_619 : i32
      %dma_wait3A_621 = arith.constant 2 : i32
      %dma_wait3A_622 = arith.constant 0 : i32
      %dma_wait3A_623 = arith.constant 0 : i32
      %dma_wait3A_624 = tpu.memref_slice %arg7[%dma_wait3A_621, %dma_wait3A_622, %dma_wait3A_623] : memref<4x128x64xf32, #tpu.memory_space<vmem>> -> memref<1x128x64xf32, #tpu.memory_space<vmem>>
      %dma_wait3A_625 = tpu.memref_squeeze %dma_wait3A_624 : memref<1x128x64xf32, #tpu.memory_space<vmem>> -> memref<128x64xf32, #tpu.memory_space<vmem>>
      %dma_wait3A_626 = arith.constant 0 : i32
      %dma_wait3A_627 = tpu.memref_slice %arg5[%add3A_620, %dma_wait3A_626] : memref<104x128xi32, #tpu.memory_space<vmem>> -> memref<1x128xi32, #tpu.memory_space<vmem>>
      %dma_wait3A_628 = tpu.memref_squeeze %dma_wait3A_627 : memref<1x128xi32, #tpu.memory_space<vmem>> -> memref<128xi32, #tpu.memory_space<vmem>>
      %dma_wait3A_629 = arith.constant 0 : i32
      %dma_wait3A_630 = arith.constant 0 : i32
      %dma_wait3A_631 = tpu.memref_slice %arg3[%dma_wait3A_629, %dma_wait3A_630] : memref<1000000x64xf32, #tpu.memory_space<hbm>> -> memref<1000000x64xf32, #tpu.memory_space<hbm>>
      tpu.wait_indirect_dma semaphore(%arg9 : memref<!tpu.dma_semaphore, #tpu.memory_space<semaphore_mem>>) src(%dma_wait3A_631 : memref<1000000x64xf32, #tpu.memory_space<hbm>>) dst(%dma_wait3A_625 : memref<128x64xf32, #tpu.memory_space<vmem>>)
      %mul3A_632 = arith.constant 4 : i32
      %mul3A_633 = arith.muli %add3A_586, %mul3A_632 : i32
      %add3A_634 = arith.constant 3 : i32
      %add3A_635 = arith.addi %mul3A_633, %add3A_634 : i32
      %dma_wait3A_636 = arith.constant 3 : i32
      %dma_wait3A_637 = arith.constant 0 : i32
      %dma_wait3A_638 = arith.constant 0 : i32
      %dma_wait3A_639 = tpu.memref_slice %arg7[%dma_wait3A_636, %dma_wait3A_637, %dma_wait3A_638] : memref<4x128x64xf32, #tpu.memory_space<vmem>> -> memref<1x128x64xf32, #tpu.memory_space<vmem>>
      %dma_wait3A_640 = tpu.memref_squeeze %dma_wait3A_639 : memref<1x128x64xf32, #tpu.memory_space<vmem>> -> memref<128x64xf32, #tpu.memory_space<vmem>>
      %dma_wait3A_641 = arith.constant 0 : i32
      %dma_wait3A_642 = tpu.memref_slice %arg5[%add3A_635, %dma_wait3A_641] : memref<104x128xi32, #tpu.memory_space<vmem>> -> memref<1x128xi32, #tpu.memory_space<vmem>>
      %dma_wait3A_643 = tpu.memref_squeeze %dma_wait3A_642 : memref<1x128xi32, #tpu.memory_space<vmem>> -> memref<128xi32, #tpu.memory_space<vmem>>
      %dma_wait3A_644 = arith.constant 0 : i32
      %dma_wait3A_645 = arith.constant 0 : i32
      %dma_wait3A_646 = tpu.memref_slice %arg3[%dma_wait3A_644, %dma_wait3A_645] : memref<1000000x64xf32, #tpu.memory_space<hbm>> -> memref<1000000x64xf32, #tpu.memory_space<hbm>>
      tpu.wait_indirect_dma semaphore(%arg9 : memref<!tpu.dma_semaphore, #tpu.memory_space<semaphore_mem>>) src(%dma_wait3A_646 : memref<1000000x64xf32, #tpu.memory_space<hbm>>) dst(%dma_wait3A_640 : memref<128x64xf32, #tpu.memory_space<vmem>>)
      %mul3A_647 = arith.constant 2 : i32
      %mul3A_648 = arith.muli %mul3A_647, %scan3A_438 : i32
      %add3A_649 = arith.constant 1 : i32
      %add3A_650 = arith.addi %mul3A_648, %add3A_649 : i32
      %mul3A_651 = arith.constant 4 : i32
      %mul3A_652 = arith.muli %add3A_650, %mul3A_651 : i32
      %add3A_653 = arith.constant 0 : i32
      %add3A_654 = arith.addi %mul3A_652, %add3A_653 : i32
      %mul3A_655 = arith.constant 128 : i32
      %mul3A_656 = arith.muli %add3A_654, %mul3A_655 : i32
      %add3A_657 = arith.addi %mul3A_2, %mul3A_656 : i32
      %dma_start3A_658 = arith.constant 0 : i32
      %dma_start3A_659 = arith.constant 0 : i32
      %dma_start3A_660 = arith.constant 0 : i32
      %dma_start3A_661 = tpu.memref_slice %arg7[%dma_start3A_658, %dma_start3A_659, %dma_start3A_660] : memref<4x128x64xf32, #tpu.memory_space<vmem>> -> memref<1x128x64xf32, #tpu.memory_space<vmem>>
      %dma_start3A_662 = tpu.memref_squeeze %dma_start3A_661 : memref<1x128x64xf32, #tpu.memory_space<vmem>> -> memref<128x64xf32, #tpu.memory_space<vmem>>
      %dma_start3A_663 = arith.constant 0 : i32
      %dma_start3A_664 = tpu.memref_slice %arg4[%add3A_657, %dma_start3A_663] : memref<425984x64xf32, #tpu.memory_space<hbm>> -> memref<128x64xf32, #tpu.memory_space<hbm>>
      %dma_start3A_665 = arith.constant 0 : i32
      %dma_start3A_666 = tpu.memref_slice %arg4[%add3A_657, %dma_start3A_665] : memref<425984x64xf32, #tpu.memory_space<hbm>> -> memref<128x64xf32, #tpu.memory_space<hbm>>
      %dma_start3A_667 = arith.constant 0 : i32
      %dma_start3A_668 = arith.constant 0 : i32
      %dma_start3A_669 = tpu.memref_slice %arg7[%dma_start3A_658, %dma_start3A_667, %dma_start3A_668] : memref<4x128x64xf32, #tpu.memory_space<vmem>> -> memref<1x128x64xf32, #tpu.memory_space<vmem>>
      %dma_start3A_670 = tpu.memref_squeeze %dma_start3A_669 : memref<1x128x64xf32, #tpu.memory_space<vmem>> -> memref<128x64xf32, #tpu.memory_space<vmem>>
      tpu.enqueue_dma source(%dma_start3A_670 : memref<128x64xf32, #tpu.memory_space<vmem>>) target(%dma_start3A_666 : memref<128x64xf32, #tpu.memory_space<hbm>>) target_semaphore(%arg11 : memref<!tpu.dma_semaphore, #tpu.memory_space<semaphore_mem>>)
      %mul3A_671 = arith.constant 4 : i32
      %mul3A_672 = arith.muli %add3A_650, %mul3A_671 : i32
      %add3A_673 = arith.constant 1 : i32
      %add3A_674 = arith.addi %mul3A_672, %add3A_673 : i32
      %mul3A_675 = arith.constant 128 : i32
      %mul3A_676 = arith.muli %add3A_674, %mul3A_675 : i32
      %add3A_677 = arith.addi %mul3A_2, %mul3A_676 : i32
      %dma_start3A_678 = arith.constant 1 : i32
      %dma_start3A_679 = arith.constant 0 : i32
      %dma_start3A_680 = arith.constant 0 : i32
      %dma_start3A_681 = tpu.memref_slice %arg7[%dma_start3A_678, %dma_start3A_679, %dma_start3A_680] : memref<4x128x64xf32, #tpu.memory_space<vmem>> -> memref<1x128x64xf32, #tpu.memory_space<vmem>>
      %dma_start3A_682 = tpu.memref_squeeze %dma_start3A_681 : memref<1x128x64xf32, #tpu.memory_space<vmem>> -> memref<128x64xf32, #tpu.memory_space<vmem>>
      %dma_start3A_683 = arith.constant 0 : i32
      %dma_start3A_684 = tpu.memref_slice %arg4[%add3A_677, %dma_start3A_683] : memref<425984x64xf32, #tpu.memory_space<hbm>> -> memref<128x64xf32, #tpu.memory_space<hbm>>
      %dma_start3A_685 = arith.constant 0 : i32
      %dma_start3A_686 = tpu.memref_slice %arg4[%add3A_677, %dma_start3A_685] : memref<425984x64xf32, #tpu.memory_space<hbm>> -> memref<128x64xf32, #tpu.memory_space<hbm>>
      %dma_start3A_687 = arith.constant 0 : i32
      %dma_start3A_688 = arith.constant 0 : i32
      %dma_start3A_689 = tpu.memref_slice %arg7[%dma_start3A_678, %dma_start3A_687, %dma_start3A_688] : memref<4x128x64xf32, #tpu.memory_space<vmem>> -> memref<1x128x64xf32, #tpu.memory_space<vmem>>
      %dma_start3A_690 = tpu.memref_squeeze %dma_start3A_689 : memref<1x128x64xf32, #tpu.memory_space<vmem>> -> memref<128x64xf32, #tpu.memory_space<vmem>>
      tpu.enqueue_dma source(%dma_start3A_690 : memref<128x64xf32, #tpu.memory_space<vmem>>) target(%dma_start3A_686 : memref<128x64xf32, #tpu.memory_space<hbm>>) target_semaphore(%arg11 : memref<!tpu.dma_semaphore, #tpu.memory_space<semaphore_mem>>)
      %mul3A_691 = arith.constant 4 : i32
      %mul3A_692 = arith.muli %add3A_650, %mul3A_691 : i32
      %add3A_693 = arith.constant 2 : i32
      %add3A_694 = arith.addi %mul3A_692, %add3A_693 : i32
      %mul3A_695 = arith.constant 128 : i32
      %mul3A_696 = arith.muli %add3A_694, %mul3A_695 : i32
      %add3A_697 = arith.addi %mul3A_2, %mul3A_696 : i32
      %dma_start3A_698 = arith.constant 2 : i32
      %dma_start3A_699 = arith.constant 0 : i32
      %dma_start3A_700 = arith.constant 0 : i32
      %dma_start3A_701 = tpu.memref_slice %arg7[%dma_start3A_698, %dma_start3A_699, %dma_start3A_700] : memref<4x128x64xf32, #tpu.memory_space<vmem>> -> memref<1x128x64xf32, #tpu.memory_space<vmem>>
      %dma_start3A_702 = tpu.memref_squeeze %dma_start3A_701 : memref<1x128x64xf32, #tpu.memory_space<vmem>> -> memref<128x64xf32, #tpu.memory_space<vmem>>
      %dma_start3A_703 = arith.constant 0 : i32
      %dma_start3A_704 = tpu.memref_slice %arg4[%add3A_697, %dma_start3A_703] : memref<425984x64xf32, #tpu.memory_space<hbm>> -> memref<128x64xf32, #tpu.memory_space<hbm>>
      %dma_start3A_705 = arith.constant 0 : i32
      %dma_start3A_706 = tpu.memref_slice %arg4[%add3A_697, %dma_start3A_705] : memref<425984x64xf32, #tpu.memory_space<hbm>> -> memref<128x64xf32, #tpu.memory_space<hbm>>
      %dma_start3A_707 = arith.constant 0 : i32
      %dma_start3A_708 = arith.constant 0 : i32
      %dma_start3A_709 = tpu.memref_slice %arg7[%dma_start3A_698, %dma_start3A_707, %dma_start3A_708] : memref<4x128x64xf32, #tpu.memory_space<vmem>> -> memref<1x128x64xf32, #tpu.memory_space<vmem>>
      %dma_start3A_710 = tpu.memref_squeeze %dma_start3A_709 : memref<1x128x64xf32, #tpu.memory_space<vmem>> -> memref<128x64xf32, #tpu.memory_space<vmem>>
      tpu.enqueue_dma source(%dma_start3A_710 : memref<128x64xf32, #tpu.memory_space<vmem>>) target(%dma_start3A_706 : memref<128x64xf32, #tpu.memory_space<hbm>>) target_semaphore(%arg11 : memref<!tpu.dma_semaphore, #tpu.memory_space<semaphore_mem>>)
      %mul3A_711 = arith.constant 4 : i32
      %mul3A_712 = arith.muli %add3A_650, %mul3A_711 : i32
      %add3A_713 = arith.constant 3 : i32
      %add3A_714 = arith.addi %mul3A_712, %add3A_713 : i32
      %mul3A_715 = arith.constant 128 : i32
      %mul3A_716 = arith.muli %add3A_714, %mul3A_715 : i32
      %add3A_717 = arith.addi %mul3A_2, %mul3A_716 : i32
      %dma_start3A_718 = arith.constant 3 : i32
      %dma_start3A_719 = arith.constant 0 : i32
      %dma_start3A_720 = arith.constant 0 : i32
      %dma_start3A_721 = tpu.memref_slice %arg7[%dma_start3A_718, %dma_start3A_719, %dma_start3A_720] : memref<4x128x64xf32, #tpu.memory_space<vmem>> -> memref<1x128x64xf32, #tpu.memory_space<vmem>>
      %dma_start3A_722 = tpu.memref_squeeze %dma_start3A_721 : memref<1x128x64xf32, #tpu.memory_space<vmem>> -> memref<128x64xf32, #tpu.memory_space<vmem>>
      %dma_start3A_723 = arith.constant 0 : i32
      %dma_start3A_724 = tpu.memref_slice %arg4[%add3A_717, %dma_start3A_723] : memref<425984x64xf32, #tpu.memory_space<hbm>> -> memref<128x64xf32, #tpu.memory_space<hbm>>
      %dma_start3A_725 = arith.constant 0 : i32
      %dma_start3A_726 = tpu.memref_slice %arg4[%add3A_717, %dma_start3A_725] : memref<425984x64xf32, #tpu.memory_space<hbm>> -> memref<128x64xf32, #tpu.memory_space<hbm>>
      %dma_start3A_727 = arith.constant 0 : i32
      %dma_start3A_728 = arith.constant 0 : i32
      %dma_start3A_729 = tpu.memref_slice %arg7[%dma_start3A_718, %dma_start3A_727, %dma_start3A_728] : memref<4x128x64xf32, #tpu.memory_space<vmem>> -> memref<1x128x64xf32, #tpu.memory_space<vmem>>
      %dma_start3A_730 = tpu.memref_squeeze %dma_start3A_729 : memref<1x128x64xf32, #tpu.memory_space<vmem>> -> memref<128x64xf32, #tpu.memory_space<vmem>>
      tpu.enqueue_dma source(%dma_start3A_730 : memref<128x64xf32, #tpu.memory_space<vmem>>) target(%dma_start3A_726 : memref<128x64xf32, #tpu.memory_space<hbm>>) target_semaphore(%arg11 : memref<!tpu.dma_semaphore, #tpu.memory_space<semaphore_mem>>)
      %mul3A_731 = arith.constant 2 : i32
      %mul3A_732 = arith.muli %mul3A_731, %scan3A_438 : i32
      %mul3A_733 = arith.constant 4 : i32
      %mul3A_734 = arith.muli %mul3A_732, %mul3A_733 : i32
      %add3A_735 = arith.constant 0 : i32
      %add3A_736 = arith.addi %mul3A_734, %add3A_735 : i32
      %mul3A_737 = arith.constant 128 : i32
      %mul3A_738 = arith.muli %add3A_736, %mul3A_737 : i32
      %add3A_739 = arith.addi %mul3A_2, %mul3A_738 : i32
      %dma_wait3A_740 = arith.constant 0 : i32
      %dma_wait3A_741 = arith.constant 0 : i32
      %dma_wait3A_742 = arith.constant 0 : i32
      %dma_wait3A_743 = tpu.memref_slice %arg6[%dma_wait3A_740, %dma_wait3A_741, %dma_wait3A_742] : memref<4x128x64xf32, #tpu.memory_space<vmem>> -> memref<1x128x64xf32, #tpu.memory_space<vmem>>
      %dma_wait3A_744 = tpu.memref_squeeze %dma_wait3A_743 : memref<1x128x64xf32, #tpu.memory_space<vmem>> -> memref<128x64xf32, #tpu.memory_space<vmem>>
      %dma_wait3A_745 = arith.constant 0 : i32
      %dma_wait3A_746 = tpu.memref_slice %arg4[%add3A_739, %dma_wait3A_745] : memref<425984x64xf32, #tpu.memory_space<hbm>> -> memref<128x64xf32, #tpu.memory_space<hbm>>
      %dma_wait3A_747 = arith.constant 0 : i32
      %dma_wait3A_748 = tpu.memref_slice %arg4[%add3A_739, %dma_wait3A_747] : memref<425984x64xf32, #tpu.memory_space<hbm>> -> memref<128x64xf32, #tpu.memory_space<hbm>>
      %dma_wait3A_749 = arith.constant 0 : i32
      %dma_wait3A_750 = arith.constant 0 : i32
      %dma_wait3A_751 = tpu.memref_slice %arg6[%dma_wait3A_740, %dma_wait3A_749, %dma_wait3A_750] : memref<4x128x64xf32, #tpu.memory_space<vmem>> -> memref<1x128x64xf32, #tpu.memory_space<vmem>>
      %dma_wait3A_752 = tpu.memref_squeeze %dma_wait3A_751 : memref<1x128x64xf32, #tpu.memory_space<vmem>> -> memref<128x64xf32, #tpu.memory_space<vmem>>
      tpu.wait_dma2 semaphore(%arg10 : memref<!tpu.dma_semaphore, #tpu.memory_space<semaphore_mem>>) src(%dma_wait3A_752 : memref<128x64xf32, #tpu.memory_space<vmem>>) dst(%dma_wait3A_748 : memref<128x64xf32, #tpu.memory_space<hbm>>)
      %mul3A_753 = arith.constant 4 : i32
      %mul3A_754 = arith.muli %mul3A_732, %mul3A_753 : i32
      %add3A_755 = arith.constant 1 : i32
      %add3A_756 = arith.addi %mul3A_754, %add3A_755 : i32
      %mul3A_757 = arith.constant 128 : i32
      %mul3A_758 = arith.muli %add3A_756, %mul3A_757 : i32
      %add3A_759 = arith.addi %mul3A_2, %mul3A_758 : i32
      %dma_wait3A_760 = arith.constant 1 : i32
      %dma_wait3A_761 = arith.constant 0 : i32
      %dma_wait3A_762 = arith.constant 0 : i32
      %dma_wait3A_763 = tpu.memref_slice %arg6[%dma_wait3A_760, %dma_wait3A_761, %dma_wait3A_762] : memref<4x128x64xf32, #tpu.memory_space<vmem>> -> memref<1x128x64xf32, #tpu.memory_space<vmem>>
      %dma_wait3A_764 = tpu.memref_squeeze %dma_wait3A_763 : memref<1x128x64xf32, #tpu.memory_space<vmem>> -> memref<128x64xf32, #tpu.memory_space<vmem>>
      %dma_wait3A_765 = arith.constant 0 : i32
      %dma_wait3A_766 = tpu.memref_slice %arg4[%add3A_759, %dma_wait3A_765] : memref<425984x64xf32, #tpu.memory_space<hbm>> -> memref<128x64xf32, #tpu.memory_space<hbm>>
      %dma_wait3A_767 = arith.constant 0 : i32
      %dma_wait3A_768 = tpu.memref_slice %arg4[%add3A_759, %dma_wait3A_767] : memref<425984x64xf32, #tpu.memory_space<hbm>> -> memref<128x64xf32, #tpu.memory_space<hbm>>
      %dma_wait3A_769 = arith.constant 0 : i32
      %dma_wait3A_770 = arith.constant 0 : i32
      %dma_wait3A_771 = tpu.memref_slice %arg6[%dma_wait3A_760, %dma_wait3A_769, %dma_wait3A_770] : memref<4x128x64xf32, #tpu.memory_space<vmem>> -> memref<1x128x64xf32, #tpu.memory_space<vmem>>
      %dma_wait3A_772 = tpu.memref_squeeze %dma_wait3A_771 : memref<1x128x64xf32, #tpu.memory_space<vmem>> -> memref<128x64xf32, #tpu.memory_space<vmem>>
      tpu.wait_dma2 semaphore(%arg10 : memref<!tpu.dma_semaphore, #tpu.memory_space<semaphore_mem>>) src(%dma_wait3A_772 : memref<128x64xf32, #tpu.memory_space<vmem>>) dst(%dma_wait3A_768 : memref<128x64xf32, #tpu.memory_space<hbm>>)
      %mul3A_773 = arith.constant 4 : i32
      %mul3A_774 = arith.muli %mul3A_732, %mul3A_773 : i32
      %add3A_775 = arith.constant 2 : i32
      %add3A_776 = arith.addi %mul3A_774, %add3A_775 : i32
      %mul3A_777 = arith.constant 128 : i32
      %mul3A_778 = arith.muli %add3A_776, %mul3A_777 : i32
      %add3A_779 = arith.addi %mul3A_2, %mul3A_778 : i32
      %dma_wait3A_780 = arith.constant 2 : i32
      %dma_wait3A_781 = arith.constant 0 : i32
      %dma_wait3A_782 = arith.constant 0 : i32
      %dma_wait3A_783 = tpu.memref_slice %arg6[%dma_wait3A_780, %dma_wait3A_781, %dma_wait3A_782] : memref<4x128x64xf32, #tpu.memory_space<vmem>> -> memref<1x128x64xf32, #tpu.memory_space<vmem>>
      %dma_wait3A_784 = tpu.memref_squeeze %dma_wait3A_783 : memref<1x128x64xf32, #tpu.memory_space<vmem>> -> memref<128x64xf32, #tpu.memory_space<vmem>>
      %dma_wait3A_785 = arith.constant 0 : i32
      %dma_wait3A_786 = tpu.memref_slice %arg4[%add3A_779, %dma_wait3A_785] : memref<425984x64xf32, #tpu.memory_space<hbm>> -> memref<128x64xf32, #tpu.memory_space<hbm>>
      %dma_wait3A_787 = arith.constant 0 : i32
      %dma_wait3A_788 = tpu.memref_slice %arg4[%add3A_779, %dma_wait3A_787] : memref<425984x64xf32, #tpu.memory_space<hbm>> -> memref<128x64xf32, #tpu.memory_space<hbm>>
      %dma_wait3A_789 = arith.constant 0 : i32
      %dma_wait3A_790 = arith.constant 0 : i32
      %dma_wait3A_791 = tpu.memref_slice %arg6[%dma_wait3A_780, %dma_wait3A_789, %dma_wait3A_790] : memref<4x128x64xf32, #tpu.memory_space<vmem>> -> memref<1x128x64xf32, #tpu.memory_space<vmem>>
      %dma_wait3A_792 = tpu.memref_squeeze %dma_wait3A_791 : memref<1x128x64xf32, #tpu.memory_space<vmem>> -> memref<128x64xf32, #tpu.memory_space<vmem>>
      tpu.wait_dma2 semaphore(%arg10 : memref<!tpu.dma_semaphore, #tpu.memory_space<semaphore_mem>>) src(%dma_wait3A_792 : memref<128x64xf32, #tpu.memory_space<vmem>>) dst(%dma_wait3A_788 : memref<128x64xf32, #tpu.memory_space<hbm>>)
      %mul3A_793 = arith.constant 4 : i32
      %mul3A_794 = arith.muli %mul3A_732, %mul3A_793 : i32
      %add3A_795 = arith.constant 3 : i32
      %add3A_796 = arith.addi %mul3A_794, %add3A_795 : i32
      %mul3A_797 = arith.constant 128 : i32
      %mul3A_798 = arith.muli %add3A_796, %mul3A_797 : i32
      %add3A_799 = arith.addi %mul3A_2, %mul3A_798 : i32
      %dma_wait3A_800 = arith.constant 3 : i32
      %dma_wait3A_801 = arith.constant 0 : i32
      %dma_wait3A_802 = arith.constant 0 : i32
      %dma_wait3A_803 = tpu.memref_slice %arg6[%dma_wait3A_800, %dma_wait3A_801, %dma_wait3A_802] : memref<4x128x64xf32, #tpu.memory_space<vmem>> -> memref<1x128x64xf32, #tpu.memory_space<vmem>>
      %dma_wait3A_804 = tpu.memref_squeeze %dma_wait3A_803 : memref<1x128x64xf32, #tpu.memory_space<vmem>> -> memref<128x64xf32, #tpu.memory_space<vmem>>
      %dma_wait3A_805 = arith.constant 0 : i32
      %dma_wait3A_806 = tpu.memref_slice %arg4[%add3A_799, %dma_wait3A_805] : memref<425984x64xf32, #tpu.memory_space<hbm>> -> memref<128x64xf32, #tpu.memory_space<hbm>>
      %dma_wait3A_807 = arith.constant 0 : i32
      %dma_wait3A_808 = tpu.memref_slice %arg4[%add3A_799, %dma_wait3A_807] : memref<425984x64xf32, #tpu.memory_space<hbm>> -> memref<128x64xf32, #tpu.memory_space<hbm>>
      %dma_wait3A_809 = arith.constant 0 : i32
      %dma_wait3A_810 = arith.constant 0 : i32
      %dma_wait3A_811 = tpu.memref_slice %arg6[%dma_wait3A_800, %dma_wait3A_809, %dma_wait3A_810] : memref<4x128x64xf32, #tpu.memory_space<vmem>> -> memref<1x128x64xf32, #tpu.memory_space<vmem>>
      %dma_wait3A_812 = tpu.memref_squeeze %dma_wait3A_811 : memref<1x128x64xf32, #tpu.memory_space<vmem>> -> memref<128x64xf32, #tpu.memory_space<vmem>>
      tpu.wait_dma2 semaphore(%arg10 : memref<!tpu.dma_semaphore, #tpu.memory_space<semaphore_mem>>) src(%dma_wait3A_812 : memref<128x64xf32, #tpu.memory_space<vmem>>) dst(%dma_wait3A_808 : memref<128x64xf32, #tpu.memory_space<hbm>>)
      %mul3A_813 = arith.constant 2 : i32
      %mul3A_814 = arith.muli %mul3A_813, %scan3A_438 : i32
      %add3A_815 = arith.constant 2 : i32
      %add3A_816 = arith.addi %mul3A_814, %add3A_815 : i32
      %mul3A_817 = arith.constant 4 : i32
      %mul3A_818 = arith.muli %add3A_816, %mul3A_817 : i32
      %add3A_819 = arith.constant 0 : i32
      %add3A_820 = arith.addi %mul3A_818, %add3A_819 : i32
      %dma_start3A_821 = arith.constant 0 : i32
      %dma_start3A_822 = arith.constant 0 : i32
      %dma_start3A_823 = arith.constant 0 : i32
      %dma_start3A_824 = tpu.memref_slice %arg6[%dma_start3A_821, %dma_start3A_822, %dma_start3A_823] : memref<4x128x64xf32, #tpu.memory_space<vmem>> -> memref<1x128x64xf32, #tpu.memory_space<vmem>>
      %dma_start3A_825 = tpu.memref_squeeze %dma_start3A_824 : memref<1x128x64xf32, #tpu.memory_space<vmem>> -> memref<128x64xf32, #tpu.memory_space<vmem>>
      %dma_start3A_826 = arith.constant 0 : i32
      %dma_start3A_827 = tpu.memref_slice %arg5[%add3A_820, %dma_start3A_826] : memref<104x128xi32, #tpu.memory_space<vmem>> -> memref<1x128xi32, #tpu.memory_space<vmem>>
      %dma_start3A_828 = tpu.memref_squeeze %dma_start3A_827 : memref<1x128xi32, #tpu.memory_space<vmem>> -> memref<128xi32, #tpu.memory_space<vmem>>
      %dma_start3A_829 = arith.constant 0 : i32
      %dma_start3A_830 = arith.constant 0 : i32
      %dma_start3A_831 = tpu.memref_slice %arg3[%dma_start3A_829, %dma_start3A_830] : memref<1000000x64xf32, #tpu.memory_space<hbm>> -> memref<1000000x64xf32, #tpu.memory_space<hbm>>
      tpu.enqueue_indirect_dma source(%dma_start3A_831 : memref<1000000x64xf32, #tpu.memory_space<hbm>>) target(%dma_start3A_825 : memref<128x64xf32, #tpu.memory_space<vmem>>) offsets(%dma_start3A_828 : memref<128xi32, #tpu.memory_space<vmem>>) semaphore(%arg8 : memref<!tpu.dma_semaphore, #tpu.memory_space<semaphore_mem>>)
      %mul3A_832 = arith.constant 4 : i32
      %mul3A_833 = arith.muli %add3A_816, %mul3A_832 : i32
      %add3A_834 = arith.constant 1 : i32
      %add3A_835 = arith.addi %mul3A_833, %add3A_834 : i32
      %dma_start3A_836 = arith.constant 1 : i32
      %dma_start3A_837 = arith.constant 0 : i32
      %dma_start3A_838 = arith.constant 0 : i32
      %dma_start3A_839 = tpu.memref_slice %arg6[%dma_start3A_836, %dma_start3A_837, %dma_start3A_838] : memref<4x128x64xf32, #tpu.memory_space<vmem>> -> memref<1x128x64xf32, #tpu.memory_space<vmem>>
      %dma_start3A_840 = tpu.memref_squeeze %dma_start3A_839 : memref<1x128x64xf32, #tpu.memory_space<vmem>> -> memref<128x64xf32, #tpu.memory_space<vmem>>
      %dma_start3A_841 = arith.constant 0 : i32
      %dma_start3A_842 = tpu.memref_slice %arg5[%add3A_835, %dma_start3A_841] : memref<104x128xi32, #tpu.memory_space<vmem>> -> memref<1x128xi32, #tpu.memory_space<vmem>>
      %dma_start3A_843 = tpu.memref_squeeze %dma_start3A_842 : memref<1x128xi32, #tpu.memory_space<vmem>> -> memref<128xi32, #tpu.memory_space<vmem>>
      %dma_start3A_844 = arith.constant 0 : i32
      %dma_start3A_845 = arith.constant 0 : i32
      %dma_start3A_846 = tpu.memref_slice %arg3[%dma_start3A_844, %dma_start3A_845] : memref<1000000x64xf32, #tpu.memory_space<hbm>> -> memref<1000000x64xf32, #tpu.memory_space<hbm>>
      tpu.enqueue_indirect_dma source(%dma_start3A_846 : memref<1000000x64xf32, #tpu.memory_space<hbm>>) target(%dma_start3A_840 : memref<128x64xf32, #tpu.memory_space<vmem>>) offsets(%dma_start3A_843 : memref<128xi32, #tpu.memory_space<vmem>>) semaphore(%arg8 : memref<!tpu.dma_semaphore, #tpu.memory_space<semaphore_mem>>)
      %mul3A_847 = arith.constant 4 : i32
      %mul3A_848 = arith.muli %add3A_816, %mul3A_847 : i32
      %add3A_849 = arith.constant 2 : i32
      %add3A_850 = arith.addi %mul3A_848, %add3A_849 : i32
      %dma_start3A_851 = arith.constant 2 : i32
      %dma_start3A_852 = arith.constant 0 : i32
      %dma_start3A_853 = arith.constant 0 : i32
      %dma_start3A_854 = tpu.memref_slice %arg6[%dma_start3A_851, %dma_start3A_852, %dma_start3A_853] : memref<4x128x64xf32, #tpu.memory_space<vmem>> -> memref<1x128x64xf32, #tpu.memory_space<vmem>>
      %dma_start3A_855 = tpu.memref_squeeze %dma_start3A_854 : memref<1x128x64xf32, #tpu.memory_space<vmem>> -> memref<128x64xf32, #tpu.memory_space<vmem>>
      %dma_start3A_856 = arith.constant 0 : i32
      %dma_start3A_857 = tpu.memref_slice %arg5[%add3A_850, %dma_start3A_856] : memref<104x128xi32, #tpu.memory_space<vmem>> -> memref<1x128xi32, #tpu.memory_space<vmem>>
      %dma_start3A_858 = tpu.memref_squeeze %dma_start3A_857 : memref<1x128xi32, #tpu.memory_space<vmem>> -> memref<128xi32, #tpu.memory_space<vmem>>
      %dma_start3A_859 = arith.constant 0 : i32
      %dma_start3A_860 = arith.constant 0 : i32
      %dma_start3A_861 = tpu.memref_slice %arg3[%dma_start3A_859, %dma_start3A_860] : memref<1000000x64xf32, #tpu.memory_space<hbm>> -> memref<1000000x64xf32, #tpu.memory_space<hbm>>
      tpu.enqueue_indirect_dma source(%dma_start3A_861 : memref<1000000x64xf32, #tpu.memory_space<hbm>>) target(%dma_start3A_855 : memref<128x64xf32, #tpu.memory_space<vmem>>) offsets(%dma_start3A_858 : memref<128xi32, #tpu.memory_space<vmem>>) semaphore(%arg8 : memref<!tpu.dma_semaphore, #tpu.memory_space<semaphore_mem>>)
      %mul3A_862 = arith.constant 4 : i32
      %mul3A_863 = arith.muli %add3A_816, %mul3A_862 : i32
      %add3A_864 = arith.constant 3 : i32
      %add3A_865 = arith.addi %mul3A_863, %add3A_864 : i32
      %dma_start3A_866 = arith.constant 3 : i32
      %dma_start3A_867 = arith.constant 0 : i32
      %dma_start3A_868 = arith.constant 0 : i32
      %dma_start3A_869 = tpu.memref_slice %arg6[%dma_start3A_866, %dma_start3A_867, %dma_start3A_868] : memref<4x128x64xf32, #tpu.memory_space<vmem>> -> memref<1x128x64xf32, #tpu.memory_space<vmem>>
      %dma_start3A_870 = tpu.memref_squeeze %dma_start3A_869 : memref<1x128x64xf32, #tpu.memory_space<vmem>> -> memref<128x64xf32, #tpu.memory_space<vmem>>
      %dma_start3A_871 = arith.constant 0 : i32
      %dma_start3A_872 = tpu.memref_slice %arg5[%add3A_865, %dma_start3A_871] : memref<104x128xi32, #tpu.memory_space<vmem>> -> memref<1x128xi32, #tpu.memory_space<vmem>>
      %dma_start3A_873 = tpu.memref_squeeze %dma_start3A_872 : memref<1x128xi32, #tpu.memory_space<vmem>> -> memref<128xi32, #tpu.memory_space<vmem>>
      %dma_start3A_874 = arith.constant 0 : i32
      %dma_start3A_875 = arith.constant 0 : i32
      %dma_start3A_876 = tpu.memref_slice %arg3[%dma_start3A_874, %dma_start3A_875] : memref<1000000x64xf32, #tpu.memory_space<hbm>> -> memref<1000000x64xf32, #tpu.memory_space<hbm>>
      tpu.enqueue_indirect_dma source(%dma_start3A_876 : memref<1000000x64xf32, #tpu.memory_space<hbm>>) target(%dma_start3A_870 : memref<128x64xf32, #tpu.memory_space<vmem>>) offsets(%dma_start3A_873 : memref<128xi32, #tpu.memory_space<vmem>>) semaphore(%arg8 : memref<!tpu.dma_semaphore, #tpu.memory_space<semaphore_mem>>)
      %mul3A_877 = arith.constant 2 : i32
      %mul3A_878 = arith.muli %mul3A_877, %scan3A_438 : i32
      %add3A_879 = arith.constant 1 : i32
      %add3A_880 = arith.addi %mul3A_878, %add3A_879 : i32
      %mul3A_881 = arith.constant 4 : i32
      %mul3A_882 = arith.muli %add3A_880, %mul3A_881 : i32
      %add3A_883 = arith.constant 0 : i32
      %add3A_884 = arith.addi %mul3A_882, %add3A_883 : i32
      %mul3A_885 = arith.constant 128 : i32
      %mul3A_886 = arith.muli %add3A_884, %mul3A_885 : i32
      %add3A_887 = arith.addi %mul3A_2, %mul3A_886 : i32
      %dma_wait3A_888 = arith.constant 0 : i32
      %dma_wait3A_889 = arith.constant 0 : i32
      %dma_wait3A_890 = arith.constant 0 : i32
      %dma_wait3A_891 = tpu.memref_slice %arg7[%dma_wait3A_888, %dma_wait3A_889, %dma_wait3A_890] : memref<4x128x64xf32, #tpu.memory_space<vmem>> -> memref<1x128x64xf32, #tpu.memory_space<vmem>>
      %dma_wait3A_892 = tpu.memref_squeeze %dma_wait3A_891 : memref<1x128x64xf32, #tpu.memory_space<vmem>> -> memref<128x64xf32, #tpu.memory_space<vmem>>
      %dma_wait3A_893 = arith.constant 0 : i32
      %dma_wait3A_894 = tpu.memref_slice %arg4[%add3A_887, %dma_wait3A_893] : memref<425984x64xf32, #tpu.memory_space<hbm>> -> memref<128x64xf32, #tpu.memory_space<hbm>>
      %dma_wait3A_895 = arith.constant 0 : i32
      %dma_wait3A_896 = tpu.memref_slice %arg4[%add3A_887, %dma_wait3A_895] : memref<425984x64xf32, #tpu.memory_space<hbm>> -> memref<128x64xf32, #tpu.memory_space<hbm>>
      %dma_wait3A_897 = arith.constant 0 : i32
      %dma_wait3A_898 = arith.constant 0 : i32
      %dma_wait3A_899 = tpu.memref_slice %arg7[%dma_wait3A_888, %dma_wait3A_897, %dma_wait3A_898] : memref<4x128x64xf32, #tpu.memory_space<vmem>> -> memref<1x128x64xf32, #tpu.memory_space<vmem>>
      %dma_wait3A_900 = tpu.memref_squeeze %dma_wait3A_899 : memref<1x128x64xf32, #tpu.memory_space<vmem>> -> memref<128x64xf32, #tpu.memory_space<vmem>>
      tpu.wait_dma2 semaphore(%arg11 : memref<!tpu.dma_semaphore, #tpu.memory_space<semaphore_mem>>) src(%dma_wait3A_900 : memref<128x64xf32, #tpu.memory_space<vmem>>) dst(%dma_wait3A_896 : memref<128x64xf32, #tpu.memory_space<hbm>>)
      %mul3A_901 = arith.constant 4 : i32
      %mul3A_902 = arith.muli %add3A_880, %mul3A_901 : i32
      %add3A_903 = arith.constant 1 : i32
      %add3A_904 = arith.addi %mul3A_902, %add3A_903 : i32
      %mul3A_905 = arith.constant 128 : i32
      %mul3A_906 = arith.muli %add3A_904, %mul3A_905 : i32
      %add3A_907 = arith.addi %mul3A_2, %mul3A_906 : i32
      %dma_wait3A_908 = arith.constant 1 : i32
      %dma_wait3A_909 = arith.constant 0 : i32
      %dma_wait3A_910 = arith.constant 0 : i32
      %dma_wait3A_911 = tpu.memref_slice %arg7[%dma_wait3A_908, %dma_wait3A_909, %dma_wait3A_910] : memref<4x128x64xf32, #tpu.memory_space<vmem>> -> memref<1x128x64xf32, #tpu.memory_space<vmem>>
      %dma_wait3A_912 = tpu.memref_squeeze %dma_wait3A_911 : memref<1x128x64xf32, #tpu.memory_space<vmem>> -> memref<128x64xf32, #tpu.memory_space<vmem>>
      %dma_wait3A_913 = arith.constant 0 : i32
      %dma_wait3A_914 = tpu.memref_slice %arg4[%add3A_907, %dma_wait3A_913] : memref<425984x64xf32, #tpu.memory_space<hbm>> -> memref<128x64xf32, #tpu.memory_space<hbm>>
      %dma_wait3A_915 = arith.constant 0 : i32
      %dma_wait3A_916 = tpu.memref_slice %arg4[%add3A_907, %dma_wait3A_915] : memref<425984x64xf32, #tpu.memory_space<hbm>> -> memref<128x64xf32, #tpu.memory_space<hbm>>
      %dma_wait3A_917 = arith.constant 0 : i32
      %dma_wait3A_918 = arith.constant 0 : i32
      %dma_wait3A_919 = tpu.memref_slice %arg7[%dma_wait3A_908, %dma_wait3A_917, %dma_wait3A_918] : memref<4x128x64xf32, #tpu.memory_space<vmem>> -> memref<1x128x64xf32, #tpu.memory_space<vmem>>
      %dma_wait3A_920 = tpu.memref_squeeze %dma_wait3A_919 : memref<1x128x64xf32, #tpu.memory_space<vmem>> -> memref<128x64xf32, #tpu.memory_space<vmem>>
      tpu.wait_dma2 semaphore(%arg11 : memref<!tpu.dma_semaphore, #tpu.memory_space<semaphore_mem>>) src(%dma_wait3A_920 : memref<128x64xf32, #tpu.memory_space<vmem>>) dst(%dma_wait3A_916 : memref<128x64xf32, #tpu.memory_space<hbm>>)
      %mul3A_921 = arith.constant 4 : i32
      %mul3A_922 = arith.muli %add3A_880, %mul3A_921 : i32
      %add3A_923 = arith.constant 2 : i32
      %add3A_924 = arith.addi %mul3A_922, %add3A_923 : i32
      %mul3A_925 = arith.constant 128 : i32
      %mul3A_926 = arith.muli %add3A_924, %mul3A_925 : i32
      %add3A_927 = arith.addi %mul3A_2, %mul3A_926 : i32
      %dma_wait3A_928 = arith.constant 2 : i32
      %dma_wait3A_929 = arith.constant 0 : i32
      %dma_wait3A_930 = arith.constant 0 : i32
      %dma_wait3A_931 = tpu.memref_slice %arg7[%dma_wait3A_928, %dma_wait3A_929, %dma_wait3A_930] : memref<4x128x64xf32, #tpu.memory_space<vmem>> -> memref<1x128x64xf32, #tpu.memory_space<vmem>>
      %dma_wait3A_932 = tpu.memref_squeeze %dma_wait3A_931 : memref<1x128x64xf32, #tpu.memory_space<vmem>> -> memref<128x64xf32, #tpu.memory_space<vmem>>
      %dma_wait3A_933 = arith.constant 0 : i32
      %dma_wait3A_934 = tpu.memref_slice %arg4[%add3A_927, %dma_wait3A_933] : memref<425984x64xf32, #tpu.memory_space<hbm>> -> memref<128x64xf32, #tpu.memory_space<hbm>>
      %dma_wait3A_935 = arith.constant 0 : i32
      %dma_wait3A_936 = tpu.memref_slice %arg4[%add3A_927, %dma_wait3A_935] : memref<425984x64xf32, #tpu.memory_space<hbm>> -> memref<128x64xf32, #tpu.memory_space<hbm>>
      %dma_wait3A_937 = arith.constant 0 : i32
      %dma_wait3A_938 = arith.constant 0 : i32
      %dma_wait3A_939 = tpu.memref_slice %arg7[%dma_wait3A_928, %dma_wait3A_937, %dma_wait3A_938] : memref<4x128x64xf32, #tpu.memory_space<vmem>> -> memref<1x128x64xf32, #tpu.memory_space<vmem>>
      %dma_wait3A_940 = tpu.memref_squeeze %dma_wait3A_939 : memref<1x128x64xf32, #tpu.memory_space<vmem>> -> memref<128x64xf32, #tpu.memory_space<vmem>>
      tpu.wait_dma2 semaphore(%arg11 : memref<!tpu.dma_semaphore, #tpu.memory_space<semaphore_mem>>) src(%dma_wait3A_940 : memref<128x64xf32, #tpu.memory_space<vmem>>) dst(%dma_wait3A_936 : memref<128x64xf32, #tpu.memory_space<hbm>>)
      %mul3A_941 = arith.constant 4 : i32
      %mul3A_942 = arith.muli %add3A_880, %mul3A_941 : i32
      %add3A_943 = arith.constant 3 : i32
      %add3A_944 = arith.addi %mul3A_942, %add3A_943 : i32
      %mul3A_945 = arith.constant 128 : i32
      %mul3A_946 = arith.muli %add3A_944, %mul3A_945 : i32
      %add3A_947 = arith.addi %mul3A_2, %mul3A_946 : i32
      %dma_wait3A_948 = arith.constant 3 : i32
      %dma_wait3A_949 = arith.constant 0 : i32
      %dma_wait3A_950 = arith.constant 0 : i32
      %dma_wait3A_951 = tpu.memref_slice %arg7[%dma_wait3A_948, %dma_wait3A_949, %dma_wait3A_950] : memref<4x128x64xf32, #tpu.memory_space<vmem>> -> memref<1x128x64xf32, #tpu.memory_space<vmem>>
      %dma_wait3A_952 = tpu.memref_squeeze %dma_wait3A_951 : memref<1x128x64xf32, #tpu.memory_space<vmem>> -> memref<128x64xf32, #tpu.memory_space<vmem>>
      %dma_wait3A_953 = arith.constant 0 : i32
      %dma_wait3A_954 = tpu.memref_slice %arg4[%add3A_947, %dma_wait3A_953] : memref<425984x64xf32, #tpu.memory_space<hbm>> -> memref<128x64xf32, #tpu.memory_space<hbm>>
      %dma_wait3A_955 = arith.constant 0 : i32
      %dma_wait3A_956 = tpu.memref_slice %arg4[%add3A_947, %dma_wait3A_955] : memref<425984x64xf32, #tpu.memory_space<hbm>> -> memref<128x64xf32, #tpu.memory_space<hbm>>
      %dma_wait3A_957 = arith.constant 0 : i32
      %dma_wait3A_958 = arith.constant 0 : i32
      %dma_wait3A_959 = tpu.memref_slice %arg7[%dma_wait3A_948, %dma_wait3A_957, %dma_wait3A_958] : memref<4x128x64xf32, #tpu.memory_space<vmem>> -> memref<1x128x64xf32, #tpu.memory_space<vmem>>
      %dma_wait3A_960 = tpu.memref_squeeze %dma_wait3A_959 : memref<1x128x64xf32, #tpu.memory_space<vmem>> -> memref<128x64xf32, #tpu.memory_space<vmem>>
      tpu.wait_dma2 semaphore(%arg11 : memref<!tpu.dma_semaphore, #tpu.memory_space<semaphore_mem>>) src(%dma_wait3A_960 : memref<128x64xf32, #tpu.memory_space<vmem>>) dst(%dma_wait3A_956 : memref<128x64xf32, #tpu.memory_space<hbm>>)
      %mul3A_961 = arith.constant 2 : i32
      %mul3A_962 = arith.muli %mul3A_961, %scan3A_438 : i32
      %add3A_963 = arith.constant 3 : i32
      %add3A_964 = arith.addi %mul3A_962, %add3A_963 : i32
      %mul3A_965 = arith.constant 4 : i32
      %mul3A_966 = arith.muli %add3A_964, %mul3A_965 : i32
      %add3A_967 = arith.constant 0 : i32
      %add3A_968 = arith.addi %mul3A_966, %add3A_967 : i32
      %dma_start3A_969 = arith.constant 0 : i32
      %dma_start3A_970 = arith.constant 0 : i32
      %dma_start3A_971 = arith.constant 0 : i32
      %dma_start3A_972 = tpu.memref_slice %arg7[%dma_start3A_969, %dma_start3A_970, %dma_start3A_971] : memref<4x128x64xf32, #tpu.memory_space<vmem>> -> memref<1x128x64xf32, #tpu.memory_space<vmem>>
      %dma_start3A_973 = tpu.memref_squeeze %dma_start3A_972 : memref<1x128x64xf32, #tpu.memory_space<vmem>> -> memref<128x64xf32, #tpu.memory_space<vmem>>
      %dma_start3A_974 = arith.constant 0 : i32
      %dma_start3A_975 = tpu.memref_slice %arg5[%add3A_968, %dma_start3A_974] : memref<104x128xi32, #tpu.memory_space<vmem>> -> memref<1x128xi32, #tpu.memory_space<vmem>>
      %dma_start3A_976 = tpu.memref_squeeze %dma_start3A_975 : memref<1x128xi32, #tpu.memory_space<vmem>> -> memref<128xi32, #tpu.memory_space<vmem>>
      %dma_start3A_977 = arith.constant 0 : i32
      %dma_start3A_978 = arith.constant 0 : i32
      %dma_start3A_979 = tpu.memref_slice %arg3[%dma_start3A_977, %dma_start3A_978] : memref<1000000x64xf32, #tpu.memory_space<hbm>> -> memref<1000000x64xf32, #tpu.memory_space<hbm>>
      tpu.enqueue_indirect_dma source(%dma_start3A_979 : memref<1000000x64xf32, #tpu.memory_space<hbm>>) target(%dma_start3A_973 : memref<128x64xf32, #tpu.memory_space<vmem>>) offsets(%dma_start3A_976 : memref<128xi32, #tpu.memory_space<vmem>>) semaphore(%arg9 : memref<!tpu.dma_semaphore, #tpu.memory_space<semaphore_mem>>)
      %mul3A_980 = arith.constant 4 : i32
      %mul3A_981 = arith.muli %add3A_964, %mul3A_980 : i32
      %add3A_982 = arith.constant 1 : i32
      %add3A_983 = arith.addi %mul3A_981, %add3A_982 : i32
      %dma_start3A_984 = arith.constant 1 : i32
      %dma_start3A_985 = arith.constant 0 : i32
      %dma_start3A_986 = arith.constant 0 : i32
      %dma_start3A_987 = tpu.memref_slice %arg7[%dma_start3A_984, %dma_start3A_985, %dma_start3A_986] : memref<4x128x64xf32, #tpu.memory_space<vmem>> -> memref<1x128x64xf32, #tpu.memory_space<vmem>>
      %dma_start3A_988 = tpu.memref_squeeze %dma_start3A_987 : memref<1x128x64xf32, #tpu.memory_space<vmem>> -> memref<128x64xf32, #tpu.memory_space<vmem>>
      %dma_start3A_989 = arith.constant 0 : i32
      %dma_start3A_990 = tpu.memref_slice %arg5[%add3A_983, %dma_start3A_989] : memref<104x128xi32, #tpu.memory_space<vmem>> -> memref<1x128xi32, #tpu.memory_space<vmem>>
      %dma_start3A_991 = tpu.memref_squeeze %dma_start3A_990 : memref<1x128xi32, #tpu.memory_space<vmem>> -> memref<128xi32, #tpu.memory_space<vmem>>
      %dma_start3A_992 = arith.constant 0 : i32
      %dma_start3A_993 = arith.constant 0 : i32
      %dma_start3A_994 = tpu.memref_slice %arg3[%dma_start3A_992, %dma_start3A_993] : memref<1000000x64xf32, #tpu.memory_space<hbm>> -> memref<1000000x64xf32, #tpu.memory_space<hbm>>
      tpu.enqueue_indirect_dma source(%dma_start3A_994 : memref<1000000x64xf32, #tpu.memory_space<hbm>>) target(%dma_start3A_988 : memref<128x64xf32, #tpu.memory_space<vmem>>) offsets(%dma_start3A_991 : memref<128xi32, #tpu.memory_space<vmem>>) semaphore(%arg9 : memref<!tpu.dma_semaphore, #tpu.memory_space<semaphore_mem>>)
      %mul3A_995 = arith.constant 4 : i32
      %mul3A_996 = arith.muli %add3A_964, %mul3A_995 : i32
      %add3A_997 = arith.constant 2 : i32
      %add3A_998 = arith.addi %mul3A_996, %add3A_997 : i32
      %dma_start3A_999 = arith.constant 2 : i32
      %dma_start3A_1000 = arith.constant 0 : i32
      %dma_start3A_1001 = arith.constant 0 : i32
      %dma_start3A_1002 = tpu.memref_slice %arg7[%dma_start3A_999, %dma_start3A_1000, %dma_start3A_1001] : memref<4x128x64xf32, #tpu.memory_space<vmem>> -> memref<1x128x64xf32, #tpu.memory_space<vmem>>
      %dma_start3A_1003 = tpu.memref_squeeze %dma_start3A_1002 : memref<1x128x64xf32, #tpu.memory_space<vmem>> -> memref<128x64xf32, #tpu.memory_space<vmem>>
      %dma_start3A_1004 = arith.constant 0 : i32
      %dma_start3A_1005 = tpu.memref_slice %arg5[%add3A_998, %dma_start3A_1004] : memref<104x128xi32, #tpu.memory_space<vmem>> -> memref<1x128xi32, #tpu.memory_space<vmem>>
      %dma_start3A_1006 = tpu.memref_squeeze %dma_start3A_1005 : memref<1x128xi32, #tpu.memory_space<vmem>> -> memref<128xi32, #tpu.memory_space<vmem>>
      %dma_start3A_1007 = arith.constant 0 : i32
      %dma_start3A_1008 = arith.constant 0 : i32
      %dma_start3A_1009 = tpu.memref_slice %arg3[%dma_start3A_1007, %dma_start3A_1008] : memref<1000000x64xf32, #tpu.memory_space<hbm>> -> memref<1000000x64xf32, #tpu.memory_space<hbm>>
      tpu.enqueue_indirect_dma source(%dma_start3A_1009 : memref<1000000x64xf32, #tpu.memory_space<hbm>>) target(%dma_start3A_1003 : memref<128x64xf32, #tpu.memory_space<vmem>>) offsets(%dma_start3A_1006 : memref<128xi32, #tpu.memory_space<vmem>>) semaphore(%arg9 : memref<!tpu.dma_semaphore, #tpu.memory_space<semaphore_mem>>)
      %mul3A_1010 = arith.constant 4 : i32
      %mul3A_1011 = arith.muli %add3A_964, %mul3A_1010 : i32
      %add3A_1012 = arith.constant 3 : i32
      %add3A_1013 = arith.addi %mul3A_1011, %add3A_1012 : i32
      %dma_start3A_1014 = arith.constant 3 : i32
      %dma_start3A_1015 = arith.constant 0 : i32
      %dma_start3A_1016 = arith.constant 0 : i32
      %dma_start3A_1017 = tpu.memref_slice %arg7[%dma_start3A_1014, %dma_start3A_1015, %dma_start3A_1016] : memref<4x128x64xf32, #tpu.memory_space<vmem>> -> memref<1x128x64xf32, #tpu.memory_space<vmem>>
      %dma_start3A_1018 = tpu.memref_squeeze %dma_start3A_1017 : memref<1x128x64xf32, #tpu.memory_space<vmem>> -> memref<128x64xf32, #tpu.memory_space<vmem>>
      %dma_start3A_1019 = arith.constant 0 : i32
      %dma_start3A_1020 = tpu.memref_slice %arg5[%add3A_1013, %dma_start3A_1019] : memref<104x128xi32, #tpu.memory_space<vmem>> -> memref<1x128xi32, #tpu.memory_space<vmem>>
      %dma_start3A_1021 = tpu.memref_squeeze %dma_start3A_1020 : memref<1x128xi32, #tpu.memory_space<vmem>> -> memref<128xi32, #tpu.memory_space<vmem>>
      %dma_start3A_1022 = arith.constant 0 : i32
      %dma_start3A_1023 = arith.constant 0 : i32
      %dma_start3A_1024 = tpu.memref_slice %arg3[%dma_start3A_1022, %dma_start3A_1023] : memref<1000000x64xf32, #tpu.memory_space<hbm>> -> memref<1000000x64xf32, #tpu.memory_space<hbm>>
      tpu.enqueue_indirect_dma source(%dma_start3A_1024 : memref<1000000x64xf32, #tpu.memory_space<hbm>>) target(%dma_start3A_1018 : memref<128x64xf32, #tpu.memory_space<vmem>>) offsets(%dma_start3A_1021 : memref<128xi32, #tpu.memory_space<vmem>>) semaphore(%arg9 : memref<!tpu.dma_semaphore, #tpu.memory_space<semaphore_mem>>)
    }
    %scan3A_102 = arith.constant 12 : i32
    %dma_wait3A = arith.constant 96 : i32
    %dma_wait3A_103 = arith.constant 0 : i32
    %dma_wait3A_104 = arith.constant 0 : i32
    %dma_wait3A_105 = arith.constant 0 : i32
    %dma_wait3A_106 = tpu.memref_slice %arg6[%dma_wait3A_103, %dma_wait3A_104, %dma_wait3A_105] : memref<4x128x64xf32, #tpu.memory_space<vmem>> -> memref<1x128x64xf32, #tpu.memory_space<vmem>>
    %dma_wait3A_107 = tpu.memref_squeeze %dma_wait3A_106 : memref<1x128x64xf32, #tpu.memory_space<vmem>> -> memref<128x64xf32, #tpu.memory_space<vmem>>
    %dma_wait3A_108 = arith.constant 0 : i32
    %dma_wait3A_109 = tpu.memref_slice %arg5[%dma_wait3A, %dma_wait3A_108] : memref<104x128xi32, #tpu.memory_space<vmem>> -> memref<1x128xi32, #tpu.memory_space<vmem>>
    %dma_wait3A_110 = tpu.memref_squeeze %dma_wait3A_109 : memref<1x128xi32, #tpu.memory_space<vmem>> -> memref<128xi32, #tpu.memory_space<vmem>>
    %dma_wait3A_111 = arith.constant 0 : i32
    %dma_wait3A_112 = arith.constant 0 : i32
    %dma_wait3A_113 = tpu.memref_slice %arg3[%dma_wait3A_111, %dma_wait3A_112] : memref<1000000x64xf32, #tpu.memory_space<hbm>> -> memref<1000000x64xf32, #tpu.memory_space<hbm>>
    tpu.wait_indirect_dma semaphore(%arg8 : memref<!tpu.dma_semaphore, #tpu.memory_space<semaphore_mem>>) src(%dma_wait3A_113 : memref<1000000x64xf32, #tpu.memory_space<hbm>>) dst(%dma_wait3A_107 : memref<128x64xf32, #tpu.memory_space<vmem>>)
    %dma_wait3A_114 = arith.constant 97 : i32
    %dma_wait3A_115 = arith.constant 1 : i32
    %dma_wait3A_116 = arith.constant 0 : i32
    %dma_wait3A_117 = arith.constant 0 : i32
    %dma_wait3A_118 = tpu.memref_slice %arg6[%dma_wait3A_115, %dma_wait3A_116, %dma_wait3A_117] : memref<4x128x64xf32, #tpu.memory_space<vmem>> -> memref<1x128x64xf32, #tpu.memory_space<vmem>>
    %dma_wait3A_119 = tpu.memref_squeeze %dma_wait3A_118 : memref<1x128x64xf32, #tpu.memory_space<vmem>> -> memref<128x64xf32, #tpu.memory_space<vmem>>
    %dma_wait3A_120 = arith.constant 0 : i32
    %dma_wait3A_121 = tpu.memref_slice %arg5[%dma_wait3A_114, %dma_wait3A_120] : memref<104x128xi32, #tpu.memory_space<vmem>> -> memref<1x128xi32, #tpu.memory_space<vmem>>
    %dma_wait3A_122 = tpu.memref_squeeze %dma_wait3A_121 : memref<1x128xi32, #tpu.memory_space<vmem>> -> memref<128xi32, #tpu.memory_space<vmem>>
    %dma_wait3A_123 = arith.constant 0 : i32
    %dma_wait3A_124 = arith.constant 0 : i32
    %dma_wait3A_125 = tpu.memref_slice %arg3[%dma_wait3A_123, %dma_wait3A_124] : memref<1000000x64xf32, #tpu.memory_space<hbm>> -> memref<1000000x64xf32, #tpu.memory_space<hbm>>
    tpu.wait_indirect_dma semaphore(%arg8 : memref<!tpu.dma_semaphore, #tpu.memory_space<semaphore_mem>>) src(%dma_wait3A_125 : memref<1000000x64xf32, #tpu.memory_space<hbm>>) dst(%dma_wait3A_119 : memref<128x64xf32, #tpu.memory_space<vmem>>)
    %dma_wait3A_126 = arith.constant 98 : i32
    %dma_wait3A_127 = arith.constant 2 : i32
    %dma_wait3A_128 = arith.constant 0 : i32
    %dma_wait3A_129 = arith.constant 0 : i32
    %dma_wait3A_130 = tpu.memref_slice %arg6[%dma_wait3A_127, %dma_wait3A_128, %dma_wait3A_129] : memref<4x128x64xf32, #tpu.memory_space<vmem>> -> memref<1x128x64xf32, #tpu.memory_space<vmem>>
    %dma_wait3A_131 = tpu.memref_squeeze %dma_wait3A_130 : memref<1x128x64xf32, #tpu.memory_space<vmem>> -> memref<128x64xf32, #tpu.memory_space<vmem>>
    %dma_wait3A_132 = arith.constant 0 : i32
    %dma_wait3A_133 = tpu.memref_slice %arg5[%dma_wait3A_126, %dma_wait3A_132] : memref<104x128xi32, #tpu.memory_space<vmem>> -> memref<1x128xi32, #tpu.memory_space<vmem>>
    %dma_wait3A_134 = tpu.memref_squeeze %dma_wait3A_133 : memref<1x128xi32, #tpu.memory_space<vmem>> -> memref<128xi32, #tpu.memory_space<vmem>>
    %dma_wait3A_135 = arith.constant 0 : i32
    %dma_wait3A_136 = arith.constant 0 : i32
    %dma_wait3A_137 = tpu.memref_slice %arg3[%dma_wait3A_135, %dma_wait3A_136] : memref<1000000x64xf32, #tpu.memory_space<hbm>> -> memref<1000000x64xf32, #tpu.memory_space<hbm>>
    tpu.wait_indirect_dma semaphore(%arg8 : memref<!tpu.dma_semaphore, #tpu.memory_space<semaphore_mem>>) src(%dma_wait3A_137 : memref<1000000x64xf32, #tpu.memory_space<hbm>>) dst(%dma_wait3A_131 : memref<128x64xf32, #tpu.memory_space<vmem>>)
    %dma_wait3A_138 = arith.constant 99 : i32
    %dma_wait3A_139 = arith.constant 3 : i32
    %dma_wait3A_140 = arith.constant 0 : i32
    %dma_wait3A_141 = arith.constant 0 : i32
    %dma_wait3A_142 = tpu.memref_slice %arg6[%dma_wait3A_139, %dma_wait3A_140, %dma_wait3A_141] : memref<4x128x64xf32, #tpu.memory_space<vmem>> -> memref<1x128x64xf32, #tpu.memory_space<vmem>>
    %dma_wait3A_143 = tpu.memref_squeeze %dma_wait3A_142 : memref<1x128x64xf32, #tpu.memory_space<vmem>> -> memref<128x64xf32, #tpu.memory_space<vmem>>
    %dma_wait3A_144 = arith.constant 0 : i32
    %dma_wait3A_145 = tpu.memref_slice %arg5[%dma_wait3A_138, %dma_wait3A_144] : memref<104x128xi32, #tpu.memory_space<vmem>> -> memref<1x128xi32, #tpu.memory_space<vmem>>
    %dma_wait3A_146 = tpu.memref_squeeze %dma_wait3A_145 : memref<1x128xi32, #tpu.memory_space<vmem>> -> memref<128xi32, #tpu.memory_space<vmem>>
    %dma_wait3A_147 = arith.constant 0 : i32
    %dma_wait3A_148 = arith.constant 0 : i32
    %dma_wait3A_149 = tpu.memref_slice %arg3[%dma_wait3A_147, %dma_wait3A_148] : memref<1000000x64xf32, #tpu.memory_space<hbm>> -> memref<1000000x64xf32, #tpu.memory_space<hbm>>
    tpu.wait_indirect_dma semaphore(%arg8 : memref<!tpu.dma_semaphore, #tpu.memory_space<semaphore_mem>>) src(%dma_wait3A_149 : memref<1000000x64xf32, #tpu.memory_space<hbm>>) dst(%dma_wait3A_143 : memref<128x64xf32, #tpu.memory_space<vmem>>)
    %add3A_150 = arith.constant 12288 : i32
    %add3A_151 = arith.addi %mul3A_2, %add3A_150 : i32
    %dma_start3A_152 = arith.constant 0 : i32
    %dma_start3A_153 = arith.constant 0 : i32
    %dma_start3A_154 = arith.constant 0 : i32
    %dma_start3A_155 = tpu.memref_slice %arg6[%dma_start3A_152, %dma_start3A_153, %dma_start3A_154] : memref<4x128x64xf32, #tpu.memory_space<vmem>> -> memref<1x128x64xf32, #tpu.memory_space<vmem>>
    %dma_start3A_156 = tpu.memref_squeeze %dma_start3A_155 : memref<1x128x64xf32, #tpu.memory_space<vmem>> -> memref<128x64xf32, #tpu.memory_space<vmem>>
    %dma_start3A_157 = arith.constant 0 : i32
    %dma_start3A_158 = tpu.memref_slice %arg4[%add3A_151, %dma_start3A_157] : memref<425984x64xf32, #tpu.memory_space<hbm>> -> memref<128x64xf32, #tpu.memory_space<hbm>>
    %dma_start3A_159 = arith.constant 0 : i32
    %dma_start3A_160 = tpu.memref_slice %arg4[%add3A_151, %dma_start3A_159] : memref<425984x64xf32, #tpu.memory_space<hbm>> -> memref<128x64xf32, #tpu.memory_space<hbm>>
    %dma_start3A_161 = arith.constant 0 : i32
    %dma_start3A_162 = arith.constant 0 : i32
    %dma_start3A_163 = tpu.memref_slice %arg6[%dma_start3A_152, %dma_start3A_161, %dma_start3A_162] : memref<4x128x64xf32, #tpu.memory_space<vmem>> -> memref<1x128x64xf32, #tpu.memory_space<vmem>>
    %dma_start3A_164 = tpu.memref_squeeze %dma_start3A_163 : memref<1x128x64xf32, #tpu.memory_space<vmem>> -> memref<128x64xf32, #tpu.memory_space<vmem>>
    tpu.enqueue_dma source(%dma_start3A_164 : memref<128x64xf32, #tpu.memory_space<vmem>>) target(%dma_start3A_160 : memref<128x64xf32, #tpu.memory_space<hbm>>) target_semaphore(%arg10 : memref<!tpu.dma_semaphore, #tpu.memory_space<semaphore_mem>>)
    %add3A_165 = arith.constant 12416 : i32
    %add3A_166 = arith.addi %mul3A_2, %add3A_165 : i32
    %dma_start3A_167 = arith.constant 1 : i32
    %dma_start3A_168 = arith.constant 0 : i32
    %dma_start3A_169 = arith.constant 0 : i32
    %dma_start3A_170 = tpu.memref_slice %arg6[%dma_start3A_167, %dma_start3A_168, %dma_start3A_169] : memref<4x128x64xf32, #tpu.memory_space<vmem>> -> memref<1x128x64xf32, #tpu.memory_space<vmem>>
    %dma_start3A_171 = tpu.memref_squeeze %dma_start3A_170 : memref<1x128x64xf32, #tpu.memory_space<vmem>> -> memref<128x64xf32, #tpu.memory_space<vmem>>
    %dma_start3A_172 = arith.constant 0 : i32
    %dma_start3A_173 = tpu.memref_slice %arg4[%add3A_166, %dma_start3A_172] : memref<425984x64xf32, #tpu.memory_space<hbm>> -> memref<128x64xf32, #tpu.memory_space<hbm>>
    %dma_start3A_174 = arith.constant 0 : i32
    %dma_start3A_175 = tpu.memref_slice %arg4[%add3A_166, %dma_start3A_174] : memref<425984x64xf32, #tpu.memory_space<hbm>> -> memref<128x64xf32, #tpu.memory_space<hbm>>
    %dma_start3A_176 = arith.constant 0 : i32
    %dma_start3A_177 = arith.constant 0 : i32
    %dma_start3A_178 = tpu.memref_slice %arg6[%dma_start3A_167, %dma_start3A_176, %dma_start3A_177] : memref<4x128x64xf32, #tpu.memory_space<vmem>> -> memref<1x128x64xf32, #tpu.memory_space<vmem>>
    %dma_start3A_179 = tpu.memref_squeeze %dma_start3A_178 : memref<1x128x64xf32, #tpu.memory_space<vmem>> -> memref<128x64xf32, #tpu.memory_space<vmem>>
    tpu.enqueue_dma source(%dma_start3A_179 : memref<128x64xf32, #tpu.memory_space<vmem>>) target(%dma_start3A_175 : memref<128x64xf32, #tpu.memory_space<hbm>>) target_semaphore(%arg10 : memref<!tpu.dma_semaphore, #tpu.memory_space<semaphore_mem>>)
    %add3A_180 = arith.constant 12544 : i32
    %add3A_181 = arith.addi %mul3A_2, %add3A_180 : i32
    %dma_start3A_182 = arith.constant 2 : i32
    %dma_start3A_183 = arith.constant 0 : i32
    %dma_start3A_184 = arith.constant 0 : i32
    %dma_start3A_185 = tpu.memref_slice %arg6[%dma_start3A_182, %dma_start3A_183, %dma_start3A_184] : memref<4x128x64xf32, #tpu.memory_space<vmem>> -> memref<1x128x64xf32, #tpu.memory_space<vmem>>
    %dma_start3A_186 = tpu.memref_squeeze %dma_start3A_185 : memref<1x128x64xf32, #tpu.memory_space<vmem>> -> memref<128x64xf32, #tpu.memory_space<vmem>>
    %dma_start3A_187 = arith.constant 0 : i32
    %dma_start3A_188 = tpu.memref_slice %arg4[%add3A_181, %dma_start3A_187] : memref<425984x64xf32, #tpu.memory_space<hbm>> -> memref<128x64xf32, #tpu.memory_space<hbm>>
    %dma_start3A_189 = arith.constant 0 : i32
    %dma_start3A_190 = tpu.memref_slice %arg4[%add3A_181, %dma_start3A_189] : memref<425984x64xf32, #tpu.memory_space<hbm>> -> memref<128x64xf32, #tpu.memory_space<hbm>>
    %dma_start3A_191 = arith.constant 0 : i32
    %dma_start3A_192 = arith.constant 0 : i32
    %dma_start3A_193 = tpu.memref_slice %arg6[%dma_start3A_182, %dma_start3A_191, %dma_start3A_192] : memref<4x128x64xf32, #tpu.memory_space<vmem>> -> memref<1x128x64xf32, #tpu.memory_space<vmem>>
    %dma_start3A_194 = tpu.memref_squeeze %dma_start3A_193 : memref<1x128x64xf32, #tpu.memory_space<vmem>> -> memref<128x64xf32, #tpu.memory_space<vmem>>
    tpu.enqueue_dma source(%dma_start3A_194 : memref<128x64xf32, #tpu.memory_space<vmem>>) target(%dma_start3A_190 : memref<128x64xf32, #tpu.memory_space<hbm>>) target_semaphore(%arg10 : memref<!tpu.dma_semaphore, #tpu.memory_space<semaphore_mem>>)
    %add3A_195 = arith.constant 12672 : i32
    %add3A_196 = arith.addi %mul3A_2, %add3A_195 : i32
    %dma_start3A_197 = arith.constant 3 : i32
    %dma_start3A_198 = arith.constant 0 : i32
    %dma_start3A_199 = arith.constant 0 : i32
    %dma_start3A_200 = tpu.memref_slice %arg6[%dma_start3A_197, %dma_start3A_198, %dma_start3A_199] : memref<4x128x64xf32, #tpu.memory_space<vmem>> -> memref<1x128x64xf32, #tpu.memory_space<vmem>>
    %dma_start3A_201 = tpu.memref_squeeze %dma_start3A_200 : memref<1x128x64xf32, #tpu.memory_space<vmem>> -> memref<128x64xf32, #tpu.memory_space<vmem>>
    %dma_start3A_202 = arith.constant 0 : i32
    %dma_start3A_203 = tpu.memref_slice %arg4[%add3A_196, %dma_start3A_202] : memref<425984x64xf32, #tpu.memory_space<hbm>> -> memref<128x64xf32, #tpu.memory_space<hbm>>
    %dma_start3A_204 = arith.constant 0 : i32
    %dma_start3A_205 = tpu.memref_slice %arg4[%add3A_196, %dma_start3A_204] : memref<425984x64xf32, #tpu.memory_space<hbm>> -> memref<128x64xf32, #tpu.memory_space<hbm>>
    %dma_start3A_206 = arith.constant 0 : i32
    %dma_start3A_207 = arith.constant 0 : i32
    %dma_start3A_208 = tpu.memref_slice %arg6[%dma_start3A_197, %dma_start3A_206, %dma_start3A_207] : memref<4x128x64xf32, #tpu.memory_space<vmem>> -> memref<1x128x64xf32, #tpu.memory_space<vmem>>
    %dma_start3A_209 = tpu.memref_squeeze %dma_start3A_208 : memref<1x128x64xf32, #tpu.memory_space<vmem>> -> memref<128x64xf32, #tpu.memory_space<vmem>>
    tpu.enqueue_dma source(%dma_start3A_209 : memref<128x64xf32, #tpu.memory_space<vmem>>) target(%dma_start3A_205 : memref<128x64xf32, #tpu.memory_space<hbm>>) target_semaphore(%arg10 : memref<!tpu.dma_semaphore, #tpu.memory_space<semaphore_mem>>)
    %dma_wait3A_210 = arith.constant 100 : i32
    %dma_wait3A_211 = arith.constant 0 : i32
    %dma_wait3A_212 = arith.constant 0 : i32
    %dma_wait3A_213 = arith.constant 0 : i32
    %dma_wait3A_214 = tpu.memref_slice %arg7[%dma_wait3A_211, %dma_wait3A_212, %dma_wait3A_213] : memref<4x128x64xf32, #tpu.memory_space<vmem>> -> memref<1x128x64xf32, #tpu.memory_space<vmem>>
    %dma_wait3A_215 = tpu.memref_squeeze %dma_wait3A_214 : memref<1x128x64xf32, #tpu.memory_space<vmem>> -> memref<128x64xf32, #tpu.memory_space<vmem>>
    %dma_wait3A_216 = arith.constant 0 : i32
    %dma_wait3A_217 = tpu.memref_slice %arg5[%dma_wait3A_210, %dma_wait3A_216] : memref<104x128xi32, #tpu.memory_space<vmem>> -> memref<1x128xi32, #tpu.memory_space<vmem>>
    %dma_wait3A_218 = tpu.memref_squeeze %dma_wait3A_217 : memref<1x128xi32, #tpu.memory_space<vmem>> -> memref<128xi32, #tpu.memory_space<vmem>>
    %dma_wait3A_219 = arith.constant 0 : i32
    %dma_wait3A_220 = arith.constant 0 : i32
    %dma_wait3A_221 = tpu.memref_slice %arg3[%dma_wait3A_219, %dma_wait3A_220] : memref<1000000x64xf32, #tpu.memory_space<hbm>> -> memref<1000000x64xf32, #tpu.memory_space<hbm>>
    tpu.wait_indirect_dma semaphore(%arg9 : memref<!tpu.dma_semaphore, #tpu.memory_space<semaphore_mem>>) src(%dma_wait3A_221 : memref<1000000x64xf32, #tpu.memory_space<hbm>>) dst(%dma_wait3A_215 : memref<128x64xf32, #tpu.memory_space<vmem>>)
    %dma_wait3A_222 = arith.constant 101 : i32
    %dma_wait3A_223 = arith.constant 1 : i32
    %dma_wait3A_224 = arith.constant 0 : i32
    %dma_wait3A_225 = arith.constant 0 : i32
    %dma_wait3A_226 = tpu.memref_slice %arg7[%dma_wait3A_223, %dma_wait3A_224, %dma_wait3A_225] : memref<4x128x64xf32, #tpu.memory_space<vmem>> -> memref<1x128x64xf32, #tpu.memory_space<vmem>>
    %dma_wait3A_227 = tpu.memref_squeeze %dma_wait3A_226 : memref<1x128x64xf32, #tpu.memory_space<vmem>> -> memref<128x64xf32, #tpu.memory_space<vmem>>
    %dma_wait3A_228 = arith.constant 0 : i32
    %dma_wait3A_229 = tpu.memref_slice %arg5[%dma_wait3A_222, %dma_wait3A_228] : memref<104x128xi32, #tpu.memory_space<vmem>> -> memref<1x128xi32, #tpu.memory_space<vmem>>
    %dma_wait3A_230 = tpu.memref_squeeze %dma_wait3A_229 : memref<1x128xi32, #tpu.memory_space<vmem>> -> memref<128xi32, #tpu.memory_space<vmem>>
    %dma_wait3A_231 = arith.constant 0 : i32
    %dma_wait3A_232 = arith.constant 0 : i32
    %dma_wait3A_233 = tpu.memref_slice %arg3[%dma_wait3A_231, %dma_wait3A_232] : memref<1000000x64xf32, #tpu.memory_space<hbm>> -> memref<1000000x64xf32, #tpu.memory_space<hbm>>
    tpu.wait_indirect_dma semaphore(%arg9 : memref<!tpu.dma_semaphore, #tpu.memory_space<semaphore_mem>>) src(%dma_wait3A_233 : memref<1000000x64xf32, #tpu.memory_space<hbm>>) dst(%dma_wait3A_227 : memref<128x64xf32, #tpu.memory_space<vmem>>)
    %dma_wait3A_234 = arith.constant 102 : i32
    %dma_wait3A_235 = arith.constant 2 : i32
    %dma_wait3A_236 = arith.constant 0 : i32
    %dma_wait3A_237 = arith.constant 0 : i32
    %dma_wait3A_238 = tpu.memref_slice %arg7[%dma_wait3A_235, %dma_wait3A_236, %dma_wait3A_237] : memref<4x128x64xf32, #tpu.memory_space<vmem>> -> memref<1x128x64xf32, #tpu.memory_space<vmem>>
    %dma_wait3A_239 = tpu.memref_squeeze %dma_wait3A_238 : memref<1x128x64xf32, #tpu.memory_space<vmem>> -> memref<128x64xf32, #tpu.memory_space<vmem>>
    %dma_wait3A_240 = arith.constant 0 : i32
    %dma_wait3A_241 = tpu.memref_slice %arg5[%dma_wait3A_234, %dma_wait3A_240] : memref<104x128xi32, #tpu.memory_space<vmem>> -> memref<1x128xi32, #tpu.memory_space<vmem>>
    %dma_wait3A_242 = tpu.memref_squeeze %dma_wait3A_241 : memref<1x128xi32, #tpu.memory_space<vmem>> -> memref<128xi32, #tpu.memory_space<vmem>>
    %dma_wait3A_243 = arith.constant 0 : i32
    %dma_wait3A_244 = arith.constant 0 : i32
    %dma_wait3A_245 = tpu.memref_slice %arg3[%dma_wait3A_243, %dma_wait3A_244] : memref<1000000x64xf32, #tpu.memory_space<hbm>> -> memref<1000000x64xf32, #tpu.memory_space<hbm>>
    tpu.wait_indirect_dma semaphore(%arg9 : memref<!tpu.dma_semaphore, #tpu.memory_space<semaphore_mem>>) src(%dma_wait3A_245 : memref<1000000x64xf32, #tpu.memory_space<hbm>>) dst(%dma_wait3A_239 : memref<128x64xf32, #tpu.memory_space<vmem>>)
    %dma_wait3A_246 = arith.constant 103 : i32
    %dma_wait3A_247 = arith.constant 3 : i32
    %dma_wait3A_248 = arith.constant 0 : i32
    %dma_wait3A_249 = arith.constant 0 : i32
    %dma_wait3A_250 = tpu.memref_slice %arg7[%dma_wait3A_247, %dma_wait3A_248, %dma_wait3A_249] : memref<4x128x64xf32, #tpu.memory_space<vmem>> -> memref<1x128x64xf32, #tpu.memory_space<vmem>>
    %dma_wait3A_251 = tpu.memref_squeeze %dma_wait3A_250 : memref<1x128x64xf32, #tpu.memory_space<vmem>> -> memref<128x64xf32, #tpu.memory_space<vmem>>
    %dma_wait3A_252 = arith.constant 0 : i32
    %dma_wait3A_253 = tpu.memref_slice %arg5[%dma_wait3A_246, %dma_wait3A_252] : memref<104x128xi32, #tpu.memory_space<vmem>> -> memref<1x128xi32, #tpu.memory_space<vmem>>
    %dma_wait3A_254 = tpu.memref_squeeze %dma_wait3A_253 : memref<1x128xi32, #tpu.memory_space<vmem>> -> memref<128xi32, #tpu.memory_space<vmem>>
    %dma_wait3A_255 = arith.constant 0 : i32
    %dma_wait3A_256 = arith.constant 0 : i32
    %dma_wait3A_257 = tpu.memref_slice %arg3[%dma_wait3A_255, %dma_wait3A_256] : memref<1000000x64xf32, #tpu.memory_space<hbm>> -> memref<1000000x64xf32, #tpu.memory_space<hbm>>
    tpu.wait_indirect_dma semaphore(%arg9 : memref<!tpu.dma_semaphore, #tpu.memory_space<semaphore_mem>>) src(%dma_wait3A_257 : memref<1000000x64xf32, #tpu.memory_space<hbm>>) dst(%dma_wait3A_251 : memref<128x64xf32, #tpu.memory_space<vmem>>)
    %add3A_258 = arith.constant 12800 : i32
    %add3A_259 = arith.addi %mul3A_2, %add3A_258 : i32
    %dma_start3A_260 = arith.constant 0 : i32
    %dma_start3A_261 = arith.constant 0 : i32
    %dma_start3A_262 = arith.constant 0 : i32
    %dma_start3A_263 = tpu.memref_slice %arg7[%dma_start3A_260, %dma_start3A_261, %dma_start3A_262] : memref<4x128x64xf32, #tpu.memory_space<vmem>> -> memref<1x128x64xf32, #tpu.memory_space<vmem>>
    %dma_start3A_264 = tpu.memref_squeeze %dma_start3A_263 : memref<1x128x64xf32, #tpu.memory_space<vmem>> -> memref<128x64xf32, #tpu.memory_space<vmem>>
    %dma_start3A_265 = arith.constant 0 : i32
    %dma_start3A_266 = tpu.memref_slice %arg4[%add3A_259, %dma_start3A_265] : memref<425984x64xf32, #tpu.memory_space<hbm>> -> memref<128x64xf32, #tpu.memory_space<hbm>>
    %dma_start3A_267 = arith.constant 0 : i32
    %dma_start3A_268 = tpu.memref_slice %arg4[%add3A_259, %dma_start3A_267] : memref<425984x64xf32, #tpu.memory_space<hbm>> -> memref<128x64xf32, #tpu.memory_space<hbm>>
    %dma_start3A_269 = arith.constant 0 : i32
    %dma_start3A_270 = arith.constant 0 : i32
    %dma_start3A_271 = tpu.memref_slice %arg7[%dma_start3A_260, %dma_start3A_269, %dma_start3A_270] : memref<4x128x64xf32, #tpu.memory_space<vmem>> -> memref<1x128x64xf32, #tpu.memory_space<vmem>>
    %dma_start3A_272 = tpu.memref_squeeze %dma_start3A_271 : memref<1x128x64xf32, #tpu.memory_space<vmem>> -> memref<128x64xf32, #tpu.memory_space<vmem>>
    tpu.enqueue_dma source(%dma_start3A_272 : memref<128x64xf32, #tpu.memory_space<vmem>>) target(%dma_start3A_268 : memref<128x64xf32, #tpu.memory_space<hbm>>) target_semaphore(%arg11 : memref<!tpu.dma_semaphore, #tpu.memory_space<semaphore_mem>>)
    %add3A_273 = arith.constant 12928 : i32
    %add3A_274 = arith.addi %mul3A_2, %add3A_273 : i32
    %dma_start3A_275 = arith.constant 1 : i32
    %dma_start3A_276 = arith.constant 0 : i32
    %dma_start3A_277 = arith.constant 0 : i32
    %dma_start3A_278 = tpu.memref_slice %arg7[%dma_start3A_275, %dma_start3A_276, %dma_start3A_277] : memref<4x128x64xf32, #tpu.memory_space<vmem>> -> memref<1x128x64xf32, #tpu.memory_space<vmem>>
    %dma_start3A_279 = tpu.memref_squeeze %dma_start3A_278 : memref<1x128x64xf32, #tpu.memory_space<vmem>> -> memref<128x64xf32, #tpu.memory_space<vmem>>
    %dma_start3A_280 = arith.constant 0 : i32
    %dma_start3A_281 = tpu.memref_slice %arg4[%add3A_274, %dma_start3A_280] : memref<425984x64xf32, #tpu.memory_space<hbm>> -> memref<128x64xf32, #tpu.memory_space<hbm>>
    %dma_start3A_282 = arith.constant 0 : i32
    %dma_start3A_283 = tpu.memref_slice %arg4[%add3A_274, %dma_start3A_282] : memref<425984x64xf32, #tpu.memory_space<hbm>> -> memref<128x64xf32, #tpu.memory_space<hbm>>
    %dma_start3A_284 = arith.constant 0 : i32
    %dma_start3A_285 = arith.constant 0 : i32
    %dma_start3A_286 = tpu.memref_slice %arg7[%dma_start3A_275, %dma_start3A_284, %dma_start3A_285] : memref<4x128x64xf32, #tpu.memory_space<vmem>> -> memref<1x128x64xf32, #tpu.memory_space<vmem>>
    %dma_start3A_287 = tpu.memref_squeeze %dma_start3A_286 : memref<1x128x64xf32, #tpu.memory_space<vmem>> -> memref<128x64xf32, #tpu.memory_space<vmem>>
    tpu.enqueue_dma source(%dma_start3A_287 : memref<128x64xf32, #tpu.memory_space<vmem>>) target(%dma_start3A_283 : memref<128x64xf32, #tpu.memory_space<hbm>>) target_semaphore(%arg11 : memref<!tpu.dma_semaphore, #tpu.memory_space<semaphore_mem>>)
    %add3A_288 = arith.constant 13056 : i32
    %add3A_289 = arith.addi %mul3A_2, %add3A_288 : i32
    %dma_start3A_290 = arith.constant 2 : i32
    %dma_start3A_291 = arith.constant 0 : i32
    %dma_start3A_292 = arith.constant 0 : i32
    %dma_start3A_293 = tpu.memref_slice %arg7[%dma_start3A_290, %dma_start3A_291, %dma_start3A_292] : memref<4x128x64xf32, #tpu.memory_space<vmem>> -> memref<1x128x64xf32, #tpu.memory_space<vmem>>
    %dma_start3A_294 = tpu.memref_squeeze %dma_start3A_293 : memref<1x128x64xf32, #tpu.memory_space<vmem>> -> memref<128x64xf32, #tpu.memory_space<vmem>>
    %dma_start3A_295 = arith.constant 0 : i32
    %dma_start3A_296 = tpu.memref_slice %arg4[%add3A_289, %dma_start3A_295] : memref<425984x64xf32, #tpu.memory_space<hbm>> -> memref<128x64xf32, #tpu.memory_space<hbm>>
    %dma_start3A_297 = arith.constant 0 : i32
    %dma_start3A_298 = tpu.memref_slice %arg4[%add3A_289, %dma_start3A_297] : memref<425984x64xf32, #tpu.memory_space<hbm>> -> memref<128x64xf32, #tpu.memory_space<hbm>>
    %dma_start3A_299 = arith.constant 0 : i32
    %dma_start3A_300 = arith.constant 0 : i32
    %dma_start3A_301 = tpu.memref_slice %arg7[%dma_start3A_290, %dma_start3A_299, %dma_start3A_300] : memref<4x128x64xf32, #tpu.memory_space<vmem>> -> memref<1x128x64xf32, #tpu.memory_space<vmem>>
    %dma_start3A_302 = tpu.memref_squeeze %dma_start3A_301 : memref<1x128x64xf32, #tpu.memory_space<vmem>> -> memref<128x64xf32, #tpu.memory_space<vmem>>
    tpu.enqueue_dma source(%dma_start3A_302 : memref<128x64xf32, #tpu.memory_space<vmem>>) target(%dma_start3A_298 : memref<128x64xf32, #tpu.memory_space<hbm>>) target_semaphore(%arg11 : memref<!tpu.dma_semaphore, #tpu.memory_space<semaphore_mem>>)
    %add3A_303 = arith.constant 13184 : i32
    %add3A_304 = arith.addi %mul3A_2, %add3A_303 : i32
    %dma_start3A_305 = arith.constant 3 : i32
    %dma_start3A_306 = arith.constant 0 : i32
    %dma_start3A_307 = arith.constant 0 : i32
    %dma_start3A_308 = tpu.memref_slice %arg7[%dma_start3A_305, %dma_start3A_306, %dma_start3A_307] : memref<4x128x64xf32, #tpu.memory_space<vmem>> -> memref<1x128x64xf32, #tpu.memory_space<vmem>>
    %dma_start3A_309 = tpu.memref_squeeze %dma_start3A_308 : memref<1x128x64xf32, #tpu.memory_space<vmem>> -> memref<128x64xf32, #tpu.memory_space<vmem>>
    %dma_start3A_310 = arith.constant 0 : i32
    %dma_start3A_311 = tpu.memref_slice %arg4[%add3A_304, %dma_start3A_310] : memref<425984x64xf32, #tpu.memory_space<hbm>> -> memref<128x64xf32, #tpu.memory_space<hbm>>
    %dma_start3A_312 = arith.constant 0 : i32
    %dma_start3A_313 = tpu.memref_slice %arg4[%add3A_304, %dma_start3A_312] : memref<425984x64xf32, #tpu.memory_space<hbm>> -> memref<128x64xf32, #tpu.memory_space<hbm>>
    %dma_start3A_314 = arith.constant 0 : i32
    %dma_start3A_315 = arith.constant 0 : i32
    %dma_start3A_316 = tpu.memref_slice %arg7[%dma_start3A_305, %dma_start3A_314, %dma_start3A_315] : memref<4x128x64xf32, #tpu.memory_space<vmem>> -> memref<1x128x64xf32, #tpu.memory_space<vmem>>
    %dma_start3A_317 = tpu.memref_squeeze %dma_start3A_316 : memref<1x128x64xf32, #tpu.memory_space<vmem>> -> memref<128x64xf32, #tpu.memory_space<vmem>>
    tpu.enqueue_dma source(%dma_start3A_317 : memref<128x64xf32, #tpu.memory_space<vmem>>) target(%dma_start3A_313 : memref<128x64xf32, #tpu.memory_space<hbm>>) target_semaphore(%arg11 : memref<!tpu.dma_semaphore, #tpu.memory_space<semaphore_mem>>)
    %add3A_318 = arith.constant 12288 : i32
    %add3A_319 = arith.addi %mul3A_2, %add3A_318 : i32
    %dma_wait3A_320 = arith.constant 0 : i32
    %dma_wait3A_321 = arith.constant 0 : i32
    %dma_wait3A_322 = arith.constant 0 : i32
    %dma_wait3A_323 = tpu.memref_slice %arg6[%dma_wait3A_320, %dma_wait3A_321, %dma_wait3A_322] : memref<4x128x64xf32, #tpu.memory_space<vmem>> -> memref<1x128x64xf32, #tpu.memory_space<vmem>>
    %dma_wait3A_324 = tpu.memref_squeeze %dma_wait3A_323 : memref<1x128x64xf32, #tpu.memory_space<vmem>> -> memref<128x64xf32, #tpu.memory_space<vmem>>
    %dma_wait3A_325 = arith.constant 0 : i32
    %dma_wait3A_326 = tpu.memref_slice %arg4[%add3A_319, %dma_wait3A_325] : memref<425984x64xf32, #tpu.memory_space<hbm>> -> memref<128x64xf32, #tpu.memory_space<hbm>>
    %dma_wait3A_327 = arith.constant 0 : i32
    %dma_wait3A_328 = tpu.memref_slice %arg4[%add3A_319, %dma_wait3A_327] : memref<425984x64xf32, #tpu.memory_space<hbm>> -> memref<128x64xf32, #tpu.memory_space<hbm>>
    %dma_wait3A_329 = arith.constant 0 : i32
    %dma_wait3A_330 = arith.constant 0 : i32
    %dma_wait3A_331 = tpu.memref_slice %arg6[%dma_wait3A_320, %dma_wait3A_329, %dma_wait3A_330] : memref<4x128x64xf32, #tpu.memory_space<vmem>> -> memref<1x128x64xf32, #tpu.memory_space<vmem>>
    %dma_wait3A_332 = tpu.memref_squeeze %dma_wait3A_331 : memref<1x128x64xf32, #tpu.memory_space<vmem>> -> memref<128x64xf32, #tpu.memory_space<vmem>>
    tpu.wait_dma2 semaphore(%arg10 : memref<!tpu.dma_semaphore, #tpu.memory_space<semaphore_mem>>) src(%dma_wait3A_332 : memref<128x64xf32, #tpu.memory_space<vmem>>) dst(%dma_wait3A_328 : memref<128x64xf32, #tpu.memory_space<hbm>>)
    %add3A_333 = arith.constant 12416 : i32
    %add3A_334 = arith.addi %mul3A_2, %add3A_333 : i32
    %dma_wait3A_335 = arith.constant 1 : i32
    %dma_wait3A_336 = arith.constant 0 : i32
    %dma_wait3A_337 = arith.constant 0 : i32
    %dma_wait3A_338 = tpu.memref_slice %arg6[%dma_wait3A_335, %dma_wait3A_336, %dma_wait3A_337] : memref<4x128x64xf32, #tpu.memory_space<vmem>> -> memref<1x128x64xf32, #tpu.memory_space<vmem>>
    %dma_wait3A_339 = tpu.memref_squeeze %dma_wait3A_338 : memref<1x128x64xf32, #tpu.memory_space<vmem>> -> memref<128x64xf32, #tpu.memory_space<vmem>>
    %dma_wait3A_340 = arith.constant 0 : i32
    %dma_wait3A_341 = tpu.memref_slice %arg4[%add3A_334, %dma_wait3A_340] : memref<425984x64xf32, #tpu.memory_space<hbm>> -> memref<128x64xf32, #tpu.memory_space<hbm>>
    %dma_wait3A_342 = arith.constant 0 : i32
    %dma_wait3A_343 = tpu.memref_slice %arg4[%add3A_334, %dma_wait3A_342] : memref<425984x64xf32, #tpu.memory_space<hbm>> -> memref<128x64xf32, #tpu.memory_space<hbm>>
    %dma_wait3A_344 = arith.constant 0 : i32
    %dma_wait3A_345 = arith.constant 0 : i32
    %dma_wait3A_346 = tpu.memref_slice %arg6[%dma_wait3A_335, %dma_wait3A_344, %dma_wait3A_345] : memref<4x128x64xf32, #tpu.memory_space<vmem>> -> memref<1x128x64xf32, #tpu.memory_space<vmem>>
    %dma_wait3A_347 = tpu.memref_squeeze %dma_wait3A_346 : memref<1x128x64xf32, #tpu.memory_space<vmem>> -> memref<128x64xf32, #tpu.memory_space<vmem>>
    tpu.wait_dma2 semaphore(%arg10 : memref<!tpu.dma_semaphore, #tpu.memory_space<semaphore_mem>>) src(%dma_wait3A_347 : memref<128x64xf32, #tpu.memory_space<vmem>>) dst(%dma_wait3A_343 : memref<128x64xf32, #tpu.memory_space<hbm>>)
    %add3A_348 = arith.constant 12544 : i32
    %add3A_349 = arith.addi %mul3A_2, %add3A_348 : i32
    %dma_wait3A_350 = arith.constant 2 : i32
    %dma_wait3A_351 = arith.constant 0 : i32
    %dma_wait3A_352 = arith.constant 0 : i32
    %dma_wait3A_353 = tpu.memref_slice %arg6[%dma_wait3A_350, %dma_wait3A_351, %dma_wait3A_352] : memref<4x128x64xf32, #tpu.memory_space<vmem>> -> memref<1x128x64xf32, #tpu.memory_space<vmem>>
    %dma_wait3A_354 = tpu.memref_squeeze %dma_wait3A_353 : memref<1x128x64xf32, #tpu.memory_space<vmem>> -> memref<128x64xf32, #tpu.memory_space<vmem>>
    %dma_wait3A_355 = arith.constant 0 : i32
    %dma_wait3A_356 = tpu.memref_slice %arg4[%add3A_349, %dma_wait3A_355] : memref<425984x64xf32, #tpu.memory_space<hbm>> -> memref<128x64xf32, #tpu.memory_space<hbm>>
    %dma_wait3A_357 = arith.constant 0 : i32
    %dma_wait3A_358 = tpu.memref_slice %arg4[%add3A_349, %dma_wait3A_357] : memref<425984x64xf32, #tpu.memory_space<hbm>> -> memref<128x64xf32, #tpu.memory_space<hbm>>
    %dma_wait3A_359 = arith.constant 0 : i32
    %dma_wait3A_360 = arith.constant 0 : i32
    %dma_wait3A_361 = tpu.memref_slice %arg6[%dma_wait3A_350, %dma_wait3A_359, %dma_wait3A_360] : memref<4x128x64xf32, #tpu.memory_space<vmem>> -> memref<1x128x64xf32, #tpu.memory_space<vmem>>
    %dma_wait3A_362 = tpu.memref_squeeze %dma_wait3A_361 : memref<1x128x64xf32, #tpu.memory_space<vmem>> -> memref<128x64xf32, #tpu.memory_space<vmem>>
    tpu.wait_dma2 semaphore(%arg10 : memref<!tpu.dma_semaphore, #tpu.memory_space<semaphore_mem>>) src(%dma_wait3A_362 : memref<128x64xf32, #tpu.memory_space<vmem>>) dst(%dma_wait3A_358 : memref<128x64xf32, #tpu.memory_space<hbm>>)
    %add3A_363 = arith.constant 12672 : i32
    %add3A_364 = arith.addi %mul3A_2, %add3A_363 : i32
    %dma_wait3A_365 = arith.constant 3 : i32
    %dma_wait3A_366 = arith.constant 0 : i32
    %dma_wait3A_367 = arith.constant 0 : i32
    %dma_wait3A_368 = tpu.memref_slice %arg6[%dma_wait3A_365, %dma_wait3A_366, %dma_wait3A_367] : memref<4x128x64xf32, #tpu.memory_space<vmem>> -> memref<1x128x64xf32, #tpu.memory_space<vmem>>
    %dma_wait3A_369 = tpu.memref_squeeze %dma_wait3A_368 : memref<1x128x64xf32, #tpu.memory_space<vmem>> -> memref<128x64xf32, #tpu.memory_space<vmem>>
    %dma_wait3A_370 = arith.constant 0 : i32
    %dma_wait3A_371 = tpu.memref_slice %arg4[%add3A_364, %dma_wait3A_370] : memref<425984x64xf32, #tpu.memory_space<hbm>> -> memref<128x64xf32, #tpu.memory_space<hbm>>
    %dma_wait3A_372 = arith.constant 0 : i32
    %dma_wait3A_373 = tpu.memref_slice %arg4[%add3A_364, %dma_wait3A_372] : memref<425984x64xf32, #tpu.memory_space<hbm>> -> memref<128x64xf32, #tpu.memory_space<hbm>>
    %dma_wait3A_374 = arith.constant 0 : i32
    %dma_wait3A_375 = arith.constant 0 : i32
    %dma_wait3A_376 = tpu.memref_slice %arg6[%dma_wait3A_365, %dma_wait3A_374, %dma_wait3A_375] : memref<4x128x64xf32, #tpu.memory_space<vmem>> -> memref<1x128x64xf32, #tpu.memory_space<vmem>>
    %dma_wait3A_377 = tpu.memref_squeeze %dma_wait3A_376 : memref<1x128x64xf32, #tpu.memory_space<vmem>> -> memref<128x64xf32, #tpu.memory_space<vmem>>
    tpu.wait_dma2 semaphore(%arg10 : memref<!tpu.dma_semaphore, #tpu.memory_space<semaphore_mem>>) src(%dma_wait3A_377 : memref<128x64xf32, #tpu.memory_space<vmem>>) dst(%dma_wait3A_373 : memref<128x64xf32, #tpu.memory_space<hbm>>)
    %add3A_378 = arith.constant 12800 : i32
    %add3A_379 = arith.addi %mul3A_2, %add3A_378 : i32
    %dma_wait3A_380 = arith.constant 0 : i32
    %dma_wait3A_381 = arith.constant 0 : i32
    %dma_wait3A_382 = arith.constant 0 : i32
    %dma_wait3A_383 = tpu.memref_slice %arg7[%dma_wait3A_380, %dma_wait3A_381, %dma_wait3A_382] : memref<4x128x64xf32, #tpu.memory_space<vmem>> -> memref<1x128x64xf32, #tpu.memory_space<vmem>>
    %dma_wait3A_384 = tpu.memref_squeeze %dma_wait3A_383 : memref<1x128x64xf32, #tpu.memory_space<vmem>> -> memref<128x64xf32, #tpu.memory_space<vmem>>
    %dma_wait3A_385 = arith.constant 0 : i32
    %dma_wait3A_386 = tpu.memref_slice %arg4[%add3A_379, %dma_wait3A_385] : memref<425984x64xf32, #tpu.memory_space<hbm>> -> memref<128x64xf32, #tpu.memory_space<hbm>>
    %dma_wait3A_387 = arith.constant 0 : i32
    %dma_wait3A_388 = tpu.memref_slice %arg4[%add3A_379, %dma_wait3A_387] : memref<425984x64xf32, #tpu.memory_space<hbm>> -> memref<128x64xf32, #tpu.memory_space<hbm>>
    %dma_wait3A_389 = arith.constant 0 : i32
    %dma_wait3A_390 = arith.constant 0 : i32
    %dma_wait3A_391 = tpu.memref_slice %arg7[%dma_wait3A_380, %dma_wait3A_389, %dma_wait3A_390] : memref<4x128x64xf32, #tpu.memory_space<vmem>> -> memref<1x128x64xf32, #tpu.memory_space<vmem>>
    %dma_wait3A_392 = tpu.memref_squeeze %dma_wait3A_391 : memref<1x128x64xf32, #tpu.memory_space<vmem>> -> memref<128x64xf32, #tpu.memory_space<vmem>>
    tpu.wait_dma2 semaphore(%arg11 : memref<!tpu.dma_semaphore, #tpu.memory_space<semaphore_mem>>) src(%dma_wait3A_392 : memref<128x64xf32, #tpu.memory_space<vmem>>) dst(%dma_wait3A_388 : memref<128x64xf32, #tpu.memory_space<hbm>>)
    %add3A_393 = arith.constant 12928 : i32
    %add3A_394 = arith.addi %mul3A_2, %add3A_393 : i32
    %dma_wait3A_395 = arith.constant 1 : i32
    %dma_wait3A_396 = arith.constant 0 : i32
    %dma_wait3A_397 = arith.constant 0 : i32
    %dma_wait3A_398 = tpu.memref_slice %arg7[%dma_wait3A_395, %dma_wait3A_396, %dma_wait3A_397] : memref<4x128x64xf32, #tpu.memory_space<vmem>> -> memref<1x128x64xf32, #tpu.memory_space<vmem>>
    %dma_wait3A_399 = tpu.memref_squeeze %dma_wait3A_398 : memref<1x128x64xf32, #tpu.memory_space<vmem>> -> memref<128x64xf32, #tpu.memory_space<vmem>>
    %dma_wait3A_400 = arith.constant 0 : i32
    %dma_wait3A_401 = tpu.memref_slice %arg4[%add3A_394, %dma_wait3A_400] : memref<425984x64xf32, #tpu.memory_space<hbm>> -> memref<128x64xf32, #tpu.memory_space<hbm>>
    %dma_wait3A_402 = arith.constant 0 : i32
    %dma_wait3A_403 = tpu.memref_slice %arg4[%add3A_394, %dma_wait3A_402] : memref<425984x64xf32, #tpu.memory_space<hbm>> -> memref<128x64xf32, #tpu.memory_space<hbm>>
    %dma_wait3A_404 = arith.constant 0 : i32
    %dma_wait3A_405 = arith.constant 0 : i32
    %dma_wait3A_406 = tpu.memref_slice %arg7[%dma_wait3A_395, %dma_wait3A_404, %dma_wait3A_405] : memref<4x128x64xf32, #tpu.memory_space<vmem>> -> memref<1x128x64xf32, #tpu.memory_space<vmem>>
    %dma_wait3A_407 = tpu.memref_squeeze %dma_wait3A_406 : memref<1x128x64xf32, #tpu.memory_space<vmem>> -> memref<128x64xf32, #tpu.memory_space<vmem>>
    tpu.wait_dma2 semaphore(%arg11 : memref<!tpu.dma_semaphore, #tpu.memory_space<semaphore_mem>>) src(%dma_wait3A_407 : memref<128x64xf32, #tpu.memory_space<vmem>>) dst(%dma_wait3A_403 : memref<128x64xf32, #tpu.memory_space<hbm>>)
    %add3A_408 = arith.constant 13056 : i32
    %add3A_409 = arith.addi %mul3A_2, %add3A_408 : i32
    %dma_wait3A_410 = arith.constant 2 : i32
    %dma_wait3A_411 = arith.constant 0 : i32
    %dma_wait3A_412 = arith.constant 0 : i32
    %dma_wait3A_413 = tpu.memref_slice %arg7[%dma_wait3A_410, %dma_wait3A_411, %dma_wait3A_412] : memref<4x128x64xf32, #tpu.memory_space<vmem>> -> memref<1x128x64xf32, #tpu.memory_space<vmem>>
    %dma_wait3A_414 = tpu.memref_squeeze %dma_wait3A_413 : memref<1x128x64xf32, #tpu.memory_space<vmem>> -> memref<128x64xf32, #tpu.memory_space<vmem>>
    %dma_wait3A_415 = arith.constant 0 : i32
    %dma_wait3A_416 = tpu.memref_slice %arg4[%add3A_409, %dma_wait3A_415] : memref<425984x64xf32, #tpu.memory_space<hbm>> -> memref<128x64xf32, #tpu.memory_space<hbm>>
    %dma_wait3A_417 = arith.constant 0 : i32
    %dma_wait3A_418 = tpu.memref_slice %arg4[%add3A_409, %dma_wait3A_417] : memref<425984x64xf32, #tpu.memory_space<hbm>> -> memref<128x64xf32, #tpu.memory_space<hbm>>
    %dma_wait3A_419 = arith.constant 0 : i32
    %dma_wait3A_420 = arith.constant 0 : i32
    %dma_wait3A_421 = tpu.memref_slice %arg7[%dma_wait3A_410, %dma_wait3A_419, %dma_wait3A_420] : memref<4x128x64xf32, #tpu.memory_space<vmem>> -> memref<1x128x64xf32, #tpu.memory_space<vmem>>
    %dma_wait3A_422 = tpu.memref_squeeze %dma_wait3A_421 : memref<1x128x64xf32, #tpu.memory_space<vmem>> -> memref<128x64xf32, #tpu.memory_space<vmem>>
    tpu.wait_dma2 semaphore(%arg11 : memref<!tpu.dma_semaphore, #tpu.memory_space<semaphore_mem>>) src(%dma_wait3A_422 : memref<128x64xf32, #tpu.memory_space<vmem>>) dst(%dma_wait3A_418 : memref<128x64xf32, #tpu.memory_space<hbm>>)
    %add3A_423 = arith.constant 13184 : i32
    %add3A_424 = arith.addi %mul3A_2, %add3A_423 : i32
    %dma_wait3A_425 = arith.constant 3 : i32
    %dma_wait3A_426 = arith.constant 0 : i32
    %dma_wait3A_427 = arith.constant 0 : i32
    %dma_wait3A_428 = tpu.memref_slice %arg7[%dma_wait3A_425, %dma_wait3A_426, %dma_wait3A_427] : memref<4x128x64xf32, #tpu.memory_space<vmem>> -> memref<1x128x64xf32, #tpu.memory_space<vmem>>
    %dma_wait3A_429 = tpu.memref_squeeze %dma_wait3A_428 : memref<1x128x64xf32, #tpu.memory_space<vmem>> -> memref<128x64xf32, #tpu.memory_space<vmem>>
    %dma_wait3A_430 = arith.constant 0 : i32
    %dma_wait3A_431 = tpu.memref_slice %arg4[%add3A_424, %dma_wait3A_430] : memref<425984x64xf32, #tpu.memory_space<hbm>> -> memref<128x64xf32, #tpu.memory_space<hbm>>
    %dma_wait3A_432 = arith.constant 0 : i32
    %dma_wait3A_433 = tpu.memref_slice %arg4[%add3A_424, %dma_wait3A_432] : memref<425984x64xf32, #tpu.memory_space<hbm>> -> memref<128x64xf32, #tpu.memory_space<hbm>>
    %dma_wait3A_434 = arith.constant 0 : i32
    %dma_wait3A_435 = arith.constant 0 : i32
    %dma_wait3A_436 = tpu.memref_slice %arg7[%dma_wait3A_425, %dma_wait3A_434, %dma_wait3A_435] : memref<4x128x64xf32, #tpu.memory_space<vmem>> -> memref<1x128x64xf32, #tpu.memory_space<vmem>>
    %dma_wait3A_437 = tpu.memref_squeeze %dma_wait3A_436 : memref<1x128x64xf32, #tpu.memory_space<vmem>> -> memref<128x64xf32, #tpu.memory_space<vmem>>
    tpu.wait_dma2 semaphore(%arg11 : memref<!tpu.dma_semaphore, #tpu.memory_space<semaphore_mem>>) src(%dma_wait3A_437 : memref<128x64xf32, #tpu.memory_space<vmem>>) dst(%dma_wait3A_433 : memref<128x64xf32, #tpu.memory_space<hbm>>)
    return
  }
}

</mosaic_0001>

<sc_bundles>
// kernel: kernel.3.cloned.1.call-start
scs
__scs_entry_jumppad:
0x0: {  	(pc) =	sbr.rel $0x88, $3  }
0x1: {  	(tag) =	ssettag $0x0;
	lr =	simm.s32 $0x1  }
0x2: {  	[smem:$0x3F9F] =	sst lr;
	_ =	strace $0xD0000000  }
0x3: {  	_ = 	snop  }
0x4: {  	_ = 	snop  }
0x5: {  	_ = 	snop  }
0x6: {  	_ = 	snop  }
0x7: {  	_ = 	snop  }
__scs_overlays_trampoline_lowered:
0x8: {  	[smem:$0x3FAE] =	sst s0  }
0x9: {  	[smem:$0x3FAF] =	sst s1  }
0xa: {  	[smem:$0x3FB0] =	sst s2  }
0xb: {  	[smem:$0x3FB1] =	sst s3  }
0xc: {  	[smem:$0x3FB2] =	sst s4  }
0xd: {  	[smem:$0x3FB3] =	sst s5  }
0xe: {  	[smem:$0x3FB4] =	sst s6  }
0xf: {  	[smem:$0x3FB5] =	sst s7  }
0x10: {  	[smem:$0x3FB6] =	sst s8  }
0x11: {  	[smem:$0x3FB7] =	sst s9;
	s0 =	simm.s32 @!p0 $0x0  }
0x12: {  	s1 =	sld [smem:$0x3F9D];
	s0 =	simm.s32 @p0 $0x1  }
0x13: {  	[smem:$0x3FB8] =	sst s0;
	s0 =	simm.s32 @!p1 $0x0  }
0x14: {  	s2 =	sld [smem:$0x3F9C];
	s0 =	simm.s32 @p1 $0x1  }
0x15: {  	[smem:$0x3FB9] =	sst s0;
	s0 =	simm.s32 @!p2 $0x0  }
0x16: {  	s3 =	sld [smem:$0x3FDB];
	s0 =	simm.s32 @p2 $0x1  }
0x17: {  	s4 =	simm.s32 $0x1BF5;
	[smem:$0x3FBB] =	sst s0  }
0x18: {  	s0 =	sld [smem:$0x3F9E];
	_ =	swait.ge [sflag:s4], $0x0  }
0x19: {  	s7 =	sld [smem:$0x3F9F]  }
0x1a: {  	s8 =	sadd.s32 $0xFFFFE003, lr  }
0x1b: {  	s9 =	sadd.s32 $0xFFFFFEF7, lr;
	s5 =	simm.s32 $0xFFFFFFFF;
	p2 =	slt.u32 s8, $0xFFFFF086  }
0x1c: {  	p1 =	slt.u32 s9, $0xF7A;
	s5 =	simm.s32 @!p2 $0x0  }
0x1d: {  	s5 =	simm.s32 @p1 $0x1;
	p0 =	seq.s32 s7, s2  }
0x1e: {  	s7 =	smul.u32 @!p0 $0xF7A, s2;
	p2 =	seq.s32 @!p0 s5, $0x0  }
0x1f: {  	s9 =	smul.u32 $0xF7A, s1;
	s8 =	simm.s32 @!p0 $0x1BF5;
	p2 =	por !p2, p0  }
0x20: {  	[sflag:s8] =	ssyncset.s32 @!p0 $0xFFFFF086;
	s6 =	sadd.s32 @!p0 s3, s7;
	s7 =	simm.s32 @!p0 $0x108  }
0x21: {  	s3 =	sadd.s32 s3, s9;
	s6 =	sadd.s32 @!p0 $0x88, s6;
	s7 =	simm.s32 @p2 $0x1082  }
0x22: {  	[simem:s7], [sflag:s8] =	dma.local @!p0 [hbm:s6], $0xF7A  }
0x23: {  	s9 =	sor.u32 $0xD0000000, s2;
	s6 =	simm.s32 $0x108;
	_ =	swait.ge @!p0 [sflag:s8], $0x0  }
0x24: {  	s3 =	sadd.s32 $0x88, s3;
	s6 =	simm.s32 @!p1 $0x1082;
	[sflag:s4] =	ssyncset.s32 $0xFFFFF086  }
0x25: {  	[simem:s6], [sflag:s4] =	dma.local [hbm:s3], $0xF7A  }
0x26: {  	[smem:$0x3F9F] =	sst s1;
	(tag) =	ssettag s2;
	_ =	strace s9  }
0x27: {  	s1 =	sld [smem:$0x3FAF]  }
0x28: {  	s2 =	sld [smem:$0x3FB0]  }
0x29: {  	s4 =	sld [smem:$0x3FB2]  }
0x2a: {  	p0 =	seq.s32 s5, $0x0;
	s5 =	sld [smem:$0x3FB3]  }
0x2b: {  	s6 =	sld [smem:$0x3FB4]  }
0x2c: {  	s7 =	sld [smem:$0x3FB5]  }
0x2d: {  	s3 =	simm.s32 $0x108;
	s8 =	sld [smem:$0x3FB6]  }
0x2e: {  	s3 =	simm.s32 @!p0 $0x1082;
	s9 =	sld [smem:$0x3FB7]  }
0x2f: {  	lr =	sadd.s32 s0, s3;
	s0 =	sld [smem:$0x3FAE]  }
0x30: {  	s3 =	sld [smem:$0x3FB1]  }
0x31: {  	[smem:$0x3FBA] =	sst s10  }
0x32: {  	s10 =	sld [smem:$0x3FB8];
	_ =	sdelay $0x3  }
0x33: {  	p0 =	seq.s32 s10, $0x1;
	s10 =	sld [smem:$0x3FBA];
	_ =	sdelay $0x3  }
0x34: {  	[smem:$0x3FBA] =	sst s10  }
0x35: {  	s10 =	sld [smem:$0x3FB9];
	_ =	sdelay $0x3  }
0x36: {  	p1 =	seq.s32 s10, $0x1;
	s10 =	sld [smem:$0x3FBA];
	_ =	sdelay $0x3  }
0x37: {  	[smem:$0x3FBA] =	sst s10  }
0x38: {  	s10 =	sld [smem:$0x3FBB]  }
0x39: {  	_ = 	snop;
	(pc) =	sbr.ind lr, $3  }
0x3a: {  	_ = 	snop  }
0x3b: {  	_ = 	snop  }
0x3c: {  	p2 =	seq.s32 s10, $0x1;
	s10 =	sld [smem:$0x3FBA]  }
0x3d: {  	_ =	shalt  }
0x3e: {  	_ =	shalt  }
0x3f: {  	_ =	shalt  }
0x40: {  	_ =	shalt  }
0x41: {  	_ =	shalt  }
0x42: {  	_ =	shalt  }
0x43: {  	_ =	shalt  }
0x44: {  	_ =	shalt  }
0x45: {  	_ =	shalt  }
0x46: {  	_ =	shalt  }
0x47: {  	_ =	shalt  }
0x48: {  	_ =	shalt  }
0x49: {  	_ =	shalt  }
0x4a: {  	_ =	shalt  }
0x4b: {  	_ =	shalt  }
0x4c: {  	_ =	shalt  }
0x4d: {  	_ =	shalt  }
0x4e: {  	_ =	shalt  }
0x4f: {  	_ =	shalt  }
0x50: {  	_ =	shalt  }
0x51: {  	_ =	shalt  }
0x52: {  	_ =	shalt  }
0x53: {  	_ =	shalt  }
0x54: {  	_ =	shalt  }
0x55: {  	_ =	shalt  }
0x56: {  	_ =	shalt  }
0x57: {  	_ =	shalt  }
0x58: {  	_ =	shalt  }
0x59: {  	_ =	shalt  }
0x5a: {  	_ =	shalt  }
0x5b: {  	_ =	shalt  }
0x5c: {  	_ =	shalt  }
0x5d: {  	_ =	shalt  }
0x5e: {  	_ =	shalt  }
0x5f: {  	_ =	shalt  }
0x60: {  	_ =	shalt  }
0x61: {  	_ =	shalt  }
0x62: {  	_ =	shalt  }
0x63: {  	_ =	shalt  }
0x64: {  	_ =	shalt  }
0x65: {  	_ =	shalt  }
0x66: {  	_ =	shalt  }
0x67: {  	_ =	shalt  }
0x68: {  	_ =	shalt  }
0x69: {  	_ =	shalt  }
0x6a: {  	_ =	shalt  }
0x6b: {  	_ =	shalt  }
0x6c: {  	_ =	shalt  }
0x6d: {  	_ =	shalt  }
0x6e: {  	_ =	shalt  }
0x6f: {  	_ =	shalt  }
0x70: {  	_ =	shalt  }
0x71: {  	_ =	shalt  }
0x72: {  	_ =	shalt  }
0x73: {  	_ =	shalt  }
0x74: {  	_ =	shalt  }
0x75: {  	_ =	shalt  }
0x76: {  	_ =	shalt  }
0x77: {  	_ =	shalt  }
0x78: {  	_ =	shalt  }
0x79: {  	_ =	shalt  }
0x7a: {  	_ =	shalt  }
0x7b: {  	_ =	shalt  }
0x7c: {  	_ =	shalt  }
0x7d: {  	_ =	shalt  }
0x7e: {  	_ =	shalt  }
0x7f: {  	_ =	shalt  }
0x80: {  	_ =	shalt  }
0x81: {  	_ =	shalt  }
0x82: {  	_ =	shalt  }
0x83: {  	_ =	shalt  }
0x84: {  	_ =	shalt  }
0x85: {  	_ =	shalt  }
0x86: {  	_ =	shalt  }
0x87: {  	_ =	shalt  }
.Lfunc_end0:
.L_simem_size_0:
called_computation.1_lowered:
.L_overlay_start_0:
0x88: {  	s2 =	sld [smem:$0x3FD9]  }
0x89: {  	s3 =	sld [smem:$0x3FFE];
	_ =	sdelay $0x1  }
0x8a: {  	s1 =	srdreg.scid  }
0x8b: {  	s0 =	sand.u32 $0x1, s1  }
0x8c: {  	s17 =	sshll.u32 s0, $0xA;
	s2 =	sadd.s32 s3, s2  }
0x8d: {  	s2 =	sadd.s32 s2, s17  }
0x8e: {  	[smem:$0x3FC6] =	sst s2  }
0x8f: {  	_ = 	snop  }
0x90: {  	s2 =	sld [smem:$0x3FC9]  }
0x91: {  	s18 =	sld [smem:$0x3FD0];
	(tm) =	ssettm $0x1  }
0x92: {  	s4 =	sld [smem:$0x3FFB];
	_ =	sdelay $0x3  }
0x93: {  	_ =	strace s4  }
0x94: {  	s4 =	sld [smem:$0x3FFC];
	_ =	sdelay $0x3  }
0x95: {  	_ =	strace s4  }
0x96: {  	s4 =	sld [smem:$0x3FFD];
	_ =	sdelay $0x3  }
0x97: {  	_ =	strace s4  }
0x98: {  	_ =	strace $0x8FFFFFFF  }
0x99: {  	s19 =	sld [smem:$0x3FDB];
	_ =	sdelay $0x1  }
0x9a: {  	s5 =	simm.s32 $_scs_section_size  }
0x9b: {  	s6 =	simm.s32 $_size__tile_overlayer_lowered;
	s7 =	simm.s32 $_tile_overlayer_lowered  }
0x9c: {  	s22 =	simm.s32 $0x1BFF;
	s21 =	sshll.u32 s7, $0x1;
	s4 =	sadd.s32 s5, s19  }
0x9d: {  	s8 =	simm.s32 $0x0;
	s20 =	sshll.u32 s6, $0x1;
	s6 =	sadd.s32 s21, s4  }
0x9e: {  	[timem:s8], [sflag:s22] =	dma.local [hbm:s6], s20  }
0x9f: {  	_ =	swait.ge [sflag:s22], s20  }
0xa0: {  	s5 =	ssub.s32 $0x0, s20;
	[sflag:s22] =	ssyncset.done $0x0  }
0xa1: {  	[sflag:s22] =	ssyncadd.s32 s5;
	_ =	sdelay $0x1  }
0xa2: {  	s23 =	simm.s32 $0x1B8B  }
0xa3: {  	_ =	swait.ge [sflag:s23], $0x1  }
0xa4: {  	[sflag:s23] =	ssyncset.done $0x0  }
0xa5: {  	s25 =	simm.s32 $0x1B8E;
	s24 =	sld [smem:$0x3FFE];
	[sflag:s23] =	ssyncadd.s32 $0xFFFFFFFF  }
0xa6: {  	s26 =	simm.s32 $execute0_lowered;
	[smem:$0x3FD2] =	sst s25  }
0xa7: {  	s6 =	sshll.u32 s26, $0x1;
	_ =	strace $0x80000046;
	[dreg:$0x1] =	wrdreg $0xFFFFFFFF  }
0xa8: {  	s28 =	simm.s32 $_size_execute0_lowered;
	s4 =	sadd.s32 s4, s6;
	[dreg:$0x0] =	wrdreg $0x0  }
0xa9: {  	s6 =	sshll.u32 s28, $0x1;
	[dreg:$0x2] =	wrdreg s4  }
0xaa: {  	[dreg:$0x3] =	wrdreg s6  }
0xab: {  	[dreg:$0x4] =	wrdreg $0xC0  }
0xac: {  	_ =	task [dreg:s8], $0x5FFFF  }
0xad: {  	[dreg:$0x1] =	wrdreg $0xFFFFFFFF  }
0xae: {  	[dreg:$0x0] =	wrdreg $0x60  }
0xaf: {  	[dreg:$0x2] =	wrdreg s2  }
0xb0: {  	[dreg:$0x3] =	wrdreg s24  }
0xb1: {  	[dreg:$0x4] =	wrdreg s18  }
0xb2: {  	[dreg:$0x5] =	wrdreg $0x9  }
0xb3: {  	_ =	task.clear_ibuf [dreg:s8], $0x6FFFF;
	_ =	strace $0x90000046  }
0xb4: {  	s29 =	simm.s32 $0x9;
	_ =	strace $0x80000048  }
0xb5: {  	_ =	swait.ge [sflag:s29], $0x1  }
0xb6: {  	[sflag:s29] =	ssyncadd.s32 $0xFFFFFFFF  }
0xb7: {  	_ =	strace $0x90000048  }
0xb8: {  	_ =	sfence  }
0xb9: {  	s30 =	sld [smem:$0x0];
	_ =	sdelay $0x2  }
0xba: {  	s31 =	sshll.u32 s1, $0xD;
	s1 =	sshrl.u32 s1, $0x2  }
0xbb: {  	s3 =	sand.u32 $0x4000, s31;
	s1 =	sadd.s32 s1, s30  }
0xbc: {  	s0 =	sor.u32 s3, s0;
	s1 =	sshll.u32 s1, $0x11  }
0xbd: {  	s0 =	sor.u32 s1, s0  }
0xbe: {  	s0 =	sadd.s32 $0x8F2B, s0  }
0xbf: {  	[sflag:s0] =	ssyncadd.remote.s32 $0x1  }
0xc0: {  	_ =	sfence.sel $0xFFFF  }
0xc1: {  	[dreg:$0x0] =	wrdreg $0xFFFFFFFF;
	(pc) =	sbr.abs _section_cstart, $3  }
0xc2: {  	[dreg:$0x1] =	wrdreg $0xFFFFFFFF  }
0xc3: {  	_ =	task.clear_ibuf [dreg:s8], $0x2FFFF;
	_ =	strace $0x9FFFFFFF  }
0xc4: {  	(tm) =	ssettm $0x7FFFFFFF  }
0xc5: {  	_ =	shalt  }
tec
execute0_lowered:
.L_overlay_start_1:
0x0: {  	(tag) =	ssettag $0x1  }
0x1: {  	s0 =	rddreg [dreg:$0x0]  }
0x2: {  	s1 =	srdreg.scid;
	s3 =	rddreg [dreg:$0x1]  }
0x3: {  	s11 =	stileid.u32;
	s6 =	rddreg [dreg:$0x2];
	s14 =	simm.s32 $0x5  }
0x4: {  	s15 =	simm.s32 $0x80;
	s16 =	simm.s32 $0x3400;
	s17 =	simm.s32 $0x5400  }
0x5: {  	s28 =	simm.s32 $0xF400;
	s30 =	simm.s32 $0x11400;
	s8 =	smul.u32 $0x1A0000, s11  }
0x6: {  	s1 =	sand.u32 $0x1, s1;
	s2 =	sshll.u32 s11, $0x1;
	s18 =	smul.u32 $0x6800, s11  }
0x7: {  	s31 =	simm.s32 $0x1;
	s4 =	sor.u32 s1, s2;
	s10 =	smul.u32 $0xD0000, s1  }
0x8: {  	s2 =	simm.s32 $0x0;
	s7 =	ssub.s32 $0x2, s1;
	s1 =	smul.u32 $0x3400, s1  }
0x9: {  	s3 =	sadd.s32 $0xF42C00, s3;
	s5 =	smul.u32 $0x3400, s4;
	[smem:$0x7FF] =	sst s2  }
0xa: {  	s4 =	smul.u32 $0xD0000, s4;
	s9 =	sshrl.u32 s7, $0x1;
	_ =	strace $0x80000047  }
0xb: {  	s13 =	ssub.s32 s7, s9;
	s20 =	sadd.s32 s10, s8;
	s1 =	sadd.s32 s1, s18  }
0xc: {  	s18 =	simm.s32 $0x4;
	s4 =	sshrl.u32 s4, $0x3;
	s5 =	sshrl.u32 s5, $0x3  }
0xd: {  	s8 =	sshrl.u32 s20, $0x3;
	s1 =	sshll.u32 s1, $0x3;
	s13 =	smax.u32 s13, $0x1  }
0xe: {  	s12 =	sadd.s32 s6, s4;
	s0 =	sadd.s32 s0, s5;
	s21 =	sadd.s32 s8, s6  }
0xf: {  	s1 =	sadd.s32 s1, s6;
	[dreg:$0xc] =	wrdreg s0;
	s19 =	sadd.s32 $0x18000, s12  }
0x10: {  	s0 =	sor.u32 $0x8000, s20;
	[dreg:$0x4] =	wrdreg s21;
	s4 =	sadd.s32 $0x18400, s12  }
0x11: {  	s22 =	sadd.s32 $0x1C00, s1;
	s7 =	sadd.s32 $0x18800, s12;
	[dreg:$0xd] =	wrdreg s19  }
0x12: {  	s23 =	sadd.s32 $0x1800, s1;
	s8 =	sadd.s32 $0x18C00, s12;
	[dreg:$0xe] =	wrdreg s4  }
0x13: {  	s24 =	sadd.s32 $0x1400, s1;
	s9 =	sadd.s32 $0x19000, s12;
	[dreg:$0x6] =	wrdreg s22  }
0x14: {  	s25 =	sadd.s32 $0xC00, s1;
	s10 =	sadd.s32 $0x19400, s12;
	[dreg:$0x7] =	wrdreg s23  }
0x15: {  	s26 =	sadd.s32 $0x800, s1;
	s11 =	sadd.s32 $0x19800, s12;
	[dreg:$0x8] =	wrdreg s24  }
0x16: {  	s29 =	sadd.s32 $0x400, s1;
	s12 =	sadd.s32 $0x19C00, s12;
	[dreg:$0x9] =	wrdreg s25  }
0x17: {  	s21 =	simm.s32 $0x9400;
	s1 =	simm.s32 $0x2;
	[dreg:$0xa] =	wrdreg s26  }
0x18: {  	s20 =	simm.s32 $0x0;
	s0 =	sshrl.u32 s0, $0x3;
	[dreg:$0xb] =	wrdreg s29  }
0x19: {  	s19 =	simm.s32 $0x7400;
	s23 =	simm.s32 $0xB400;
	s0 =	sadd.s32 s0, s6  }
0x1a: {  	s25 =	simm.s32 $0xD400;
	[dreg:$0x5] =	wrdreg s0;
	s0 =	simm.s32 $0x3  }
.LBB2_1:
0x1b: {  	s4 =	rddreg [dreg:$0xc]  }
0x1c: {  	[tilespmem:s2], [sflag:$0x5] =	stream.linear.gather [hbm4b:s4+s2], $0x3400, $0x38;
	[tilespmem:$0x13400] =	vst v63  }
0x1d: {  	_ =	swait.ge [sflag:s14], $0x3400  }
0x1e: {  	[sflag:s14] =	ssyncset.done $0x0  }
0x1f: {  	[sflag:s14] =	ssyncadd.s32 $0xFFFFCC00  }
0x20: {  	[tilespmem:s16], [sflag:$0x1] =	stream.indirect.gather [hbm4b:s3+s15], $0x40, s2, s15, $0xb8;
	[tilespmem:$0x13400] =	vst v63  }
0x21: {  	_ = 	snop  }
0x22: {  	[tilespmem:s17], [sflag:$0x1] =	stream.indirect.gather [hbm4b:s3+s15], $0x40, s15, s15, $0xb8;
	[tilespmem:$0x13400] =	vst v63  }
0x23: {  	s29 =	simm.s32 $0x100  }
0x24: {  	[tilespmem:s19], [sflag:$0x1] =	stream.indirect.gather [hbm4b:s3+s15], $0x40, s29, s15, $0xb8;
	[tilespmem:$0x13400] =	vst v63  }
0x25: {  	s5 =	simm.s32 $0x180  }
0x26: {  	[tilespmem:s21], [sflag:$0x1] =	stream.indirect.gather [hbm4b:s3+s15], $0x40, s5, s15, $0xb8;
	[tilespmem:$0x13400] =	vst v63  }
0x27: {  	s6 =	simm.s32 $0x200  }
0x28: {  	[tilespmem:s23], [sflag:$0x2] =	stream.indirect.gather [hbm4b:s3+s15], $0x40, s6, s15, $0xb8;
	[tilespmem:$0x13400] =	vst v63  }
0x29: {  	s22 =	simm.s32 $0x280  }
0x2a: {  	[tilespmem:s25], [sflag:$0x2] =	stream.indirect.gather [hbm4b:s3+s15], $0x40, s22, s15, $0xb8;
	[tilespmem:$0x13400] =	vst v63  }
0x2b: {  	s24 =	simm.s32 $0x300  }
0x2c: {  	[tilespmem:s28], [sflag:$0x2] =	stream.indirect.gather [hbm4b:s3+s15], $0x40, s24, s15, $0xb8;
	[tilespmem:$0x13400] =	vst v63  }
0x2d: {  	s26 =	simm.s32 $0x380  }
0x2e: {  	[tilespmem:s30], [sflag:$0x2] =	stream.indirect.gather [hbm4b:s3+s15], $0x40, s26, s15, $0xb8;
	[tilespmem:$0x13400] =	vst v63  }
0x2f: {  	_ =	swait.ge [sflag:s31], $0x2000  }
0x30: {  	[sflag:s31] =	ssyncset.done $0x0  }
0x31: {  	[sflag:s31] =	ssyncadd.s32 $0xFFFFE000  }
0x32: {  	_ =	swait.ge [sflag:s31], $0x2000  }
0x33: {  	[sflag:s31] =	ssyncset.done $0x0  }
0x34: {  	[sflag:s31] =	ssyncadd.s32 $0xFFFFE000  }
0x35: {  	_ =	swait.ge [sflag:s31], $0x2000  }
0x36: {  	[sflag:s31] =	ssyncset.done $0x0  }
0x37: {  	[sflag:s31] =	ssyncadd.s32 $0xFFFFE000  }
0x38: {  	_ =	swait.ge [sflag:s31], $0x2000  }
0x39: {  	s22 =	rddreg [dreg:$0x4];
	[sflag:s31] =	ssyncset.done $0x0  }
0x3a: {  	s24 =	rddreg [dreg:$0xb];
	[sflag:s31] =	ssyncadd.s32 $0xFFFFE000;
	s22 =	sadd.s32 $0x0, s22  }
0x3b: {  	[hbm4b:s22+s2] =	stream.linear.scatter [tilespmem:s16], [sflag:$0x3], $0x2000, $0x38;
	[tilespmem:$0x13400] =	vst v63  }
0x3c: {  	s26 =	rddreg [dreg:$0xa];
	s29 =	sadd.s32 $0x0, s24  }
0x3d: {  	[hbm4b:s29+s2] =	stream.linear.scatter [tilespmem:s17], [sflag:$0x3], $0x2000, $0x38;
	[tilespmem:$0x13400] =	vst v63  }
0x3e: {  	s4 =	rddreg [dreg:$0x9];
	s5 =	sadd.s32 $0x0, s26  }
0x3f: {  	[hbm4b:s5+s2] =	stream.linear.scatter [tilespmem:s19], [sflag:$0x3], $0x2000, $0x38;
	[tilespmem:$0x13400] =	vst v63  }
0x40: {  	s6 =	sadd.s32 $0x0, s4  }
0x41: {  	[hbm4b:s6+s2] =	stream.linear.scatter [tilespmem:s21], [sflag:$0x3], $0x2000, $0x38;
	[tilespmem:$0x13400] =	vst v63  }
0x42: {  	_ =	swait.ge [sflag:s1], $0x2000  }
0x43: {  	[sflag:s1] =	ssyncset.done $0x0  }
0x44: {  	[sflag:s1] =	ssyncadd.s32 $0xFFFFE000  }
0x45: {  	_ =	swait.ge [sflag:s1], $0x2000  }
0x46: {  	[sflag:s1] =	ssyncset.done $0x0  }
0x47: {  	[sflag:s1] =	ssyncadd.s32 $0xFFFFE000  }
0x48: {  	_ =	swait.ge [sflag:s1], $0x2000  }
0x49: {  	[sflag:s1] =	ssyncset.done $0x0  }
0x4a: {  	[sflag:s1] =	ssyncadd.s32 $0xFFFFE000  }
0x4b: {  	_ =	swait.ge [sflag:s1], $0x2000  }
0x4c: {  	s24 =	rddreg [dreg:$0x5];
	[sflag:s1] =	ssyncset.done $0x0  }
0x4d: {  	s26 =	rddreg [dreg:$0x8];
	[sflag:s1] =	ssyncadd.s32 $0xFFFFE000;
	s22 =	sadd.s32 $0x0, s24  }
0x4e: {  	[hbm4b:s22+s2] =	stream.linear.scatter [tilespmem:s23], [sflag:$0x4], $0x2000, $0x38;
	[tilespmem:$0x13400] =	vst v63  }
0x4f: {  	s29 =	rddreg [dreg:$0x7];
	s4 =	sadd.s32 $0x0, s26  }
0x50: {  	[hbm4b:s4+s2] =	stream.linear.scatter [tilespmem:s25], [sflag:$0x4], $0x2000, $0x38;
	[tilespmem:$0x13400] =	vst v63  }
0x51: {  	s5 =	rddreg [dreg:$0x6];
	s6 =	sadd.s32 $0x0, s29  }
0x52: {  	[hbm4b:s6+s2] =	stream.linear.scatter [tilespmem:s28], [sflag:$0x4], $0x2000, $0x38;
	[tilespmem:$0x13400] =	vst v63  }
0x53: {  	s26 =	sadd.s32 $0x0, s5  }
0x54: {  	[hbm4b:s26+s2] =	stream.linear.scatter [tilespmem:s30], [sflag:$0x4], $0x2000, $0x38;
	[tilespmem:$0x13400] =	vst v63  }
0x55: {  	_ =	swait.ge [sflag:s0], $0x2000  }
0x56: {  	[sflag:s0] =	ssyncset.done $0x0  }
0x57: {  	[sflag:s0] =	ssyncadd.s32 $0xFFFFE000  }
0x58: {  	_ =	swait.ge [sflag:s0], $0x2000  }
0x59: {  	[sflag:s0] =	ssyncset.done $0x0  }
0x5a: {  	[sflag:s0] =	ssyncadd.s32 $0xFFFFE000  }
0x5b: {  	_ =	swait.ge [sflag:s0], $0x2000  }
0x5c: {  	[sflag:s0] =	ssyncset.done $0x0  }
0x5d: {  	[sflag:s0] =	ssyncadd.s32 $0xFFFFE000  }
0x5e: {  	_ =	swait.ge [sflag:s0], $0x2000  }
0x5f: {  	[sflag:s0] =	ssyncset.done $0x0  }
0x60: {  	s29 =	simm.s32 $0x400;
	[sflag:s0] =	ssyncadd.s32 $0xFFFFE000  }
0x61: {  	[tilespmem:s16], [sflag:$0x1] =	stream.indirect.gather [hbm4b:s3+s15], $0x40, s29, s15, $0xb8;
	[tilespmem:$0x13400] =	vst v63  }
0x62: {  	s4 =	simm.s32 $0x480  }
0x63: {  	[tilespmem:s17], [sflag:$0x1] =	stream.indirect.gather [hbm4b:s3+s15], $0x40, s4, s15, $0xb8;
	[tilespmem:$0x13400] =	vst v63  }
0x64: {  	s5 =	simm.s32 $0x500  }
0x65: {  	[tilespmem:s19], [sflag:$0x1] =	stream.indirect.gather [hbm4b:s3+s15], $0x40, s5, s15, $0xb8;
	[tilespmem:$0x13400] =	vst v63  }
0x66: {  	s6 =	simm.s32 $0x580  }
0x67: {  	[tilespmem:s21], [sflag:$0x1] =	stream.indirect.gather [hbm4b:s3+s15], $0x40, s6, s15, $0xb8;
	[tilespmem:$0x13400] =	vst v63  }
0x68: {  	_ =	swait.ge [sflag:s18], $0x2000  }
0x69: {  	[sflag:s18] =	ssyncset.done $0x0  }
0x6a: {  	[sflag:s18] =	ssyncadd.s32 $0xFFFFE000  }
0x6b: {  	_ =	swait.ge [sflag:s18], $0x2000  }
0x6c: {  	[sflag:s18] =	ssyncset.done $0x0  }
0x6d: {  	[sflag:s18] =	ssyncadd.s32 $0xFFFFE000  }
0x6e: {  	_ =	swait.ge [sflag:s18], $0x2000  }
0x6f: {  	[sflag:s18] =	ssyncset.done $0x0  }
0x70: {  	[sflag:s18] =	ssyncadd.s32 $0xFFFFE000  }
0x71: {  	_ =	swait.ge [sflag:s18], $0x2000  }
0x72: {  	[sflag:s18] =	ssyncset.done $0x0  }
0x73: {  	s24 =	simm.s32 $0x600;
	[sflag:s18] =	ssyncadd.s32 $0xFFFFE000  }
0x74: {  	[tilespmem:s23], [sflag:$0x2] =	stream.indirect.gather [hbm4b:s3+s15], $0x40, s24, s15, $0xb8;
	[tilespmem:$0x13400] =	vst v63  }
0x75: {  	s22 =	simm.s32 $0x780;
	s26 =	simm.s32 $0x680  }
0x76: {  	[tilespmem:s25], [sflag:$0x2] =	stream.indirect.gather [hbm4b:s3+s15], $0x40, s26, s15, $0xb8;
	[tilespmem:$0x13400] =	vst v63  }
0x77: {  	s29 =	simm.s32 $0x700;
	s24 =	simm.s32 $0x2000;
	s26 =	simm.s32 $0xB80  }
0x78: {  	[tilespmem:s28], [sflag:$0x2] =	stream.indirect.gather [hbm4b:s3+s15], $0x40, s29, s15, $0xb8;
	[tilespmem:$0x13400] =	vst v63  }
.LBB2_2:
0x79: {  	[tilespmem:s30], [sflag:$0x2] =	stream.indirect.gather [hbm4b:s3+s15], $0x40, s22, s15, $0xb8;
	[tilespmem:$0x13400] =	vst v63  }
0x7a: {  	_ =	swait.ge [sflag:s31], $0x2000  }
0x7b: {  	[sflag:s31] =	ssyncset.done $0x0  }
0x7c: {  	[sflag:s31] =	ssyncadd.s32 $0xFFFFE000  }
0x7d: {  	_ =	swait.ge [sflag:s31], $0x2000  }
0x7e: {  	[sflag:s31] =	ssyncset.done $0x0  }
0x7f: {  	[sflag:s31] =	ssyncadd.s32 $0xFFFFE000  }
0x80: {  	_ =	swait.ge [sflag:s31], $0x2000  }
0x81: {  	[sflag:s31] =	ssyncset.done $0x0  }
0x82: {  	[sflag:s31] =	ssyncadd.s32 $0xFFFFE000  }
0x83: {  	_ =	swait.ge [sflag:s31], $0x2000  }
0x84: {  	s29 =	smov.u32 s24;
	s4 =	rddreg [dreg:$0x4];
	[sflag:s31] =	ssyncset.done $0x0  }
0x85: {  	s5 =	rddreg [dreg:$0xb];
	[sflag:s31] =	ssyncadd.s32 $0xFFFFE000;
	s4 =	sadd.s32 s29, s4  }
0x86: {  	[hbm4b:s4+s2] =	stream.linear.scatter [tilespmem:s16], [sflag:$0x3], $0x2000, $0x38;
	[tilespmem:$0x13400] =	vst v63  }
0x87: {  	s6 =	rddreg [dreg:$0xa];
	s4 =	sadd.s32 s29, s5  }
0x88: {  	[hbm4b:s4+s2] =	stream.linear.scatter [tilespmem:s17], [sflag:$0x3], $0x2000, $0x38;
	[tilespmem:$0x13400] =	vst v63  }
0x89: {  	s6 =	sadd.s32 s29, s6;
	s5 =	rddreg [dreg:$0x9]  }
0x8a: {  	[hbm4b:s6+s2] =	stream.linear.scatter [tilespmem:s19], [sflag:$0x3], $0x2000, $0x38;
	[tilespmem:$0x13400] =	vst v63  }
0x8b: {  	s5 =	sadd.s32 s29, s5  }
0x8c: {  	[hbm4b:s5+s2] =	stream.linear.scatter [tilespmem:s21], [sflag:$0x3], $0x2000, $0x38;
	[tilespmem:$0x13400] =	vst v63  }
0x8d: {  	_ =	swait.ge [sflag:s1], $0x2000  }
0x8e: {  	[sflag:s1] =	ssyncset.done $0x0  }
0x8f: {  	[sflag:s1] =	ssyncadd.s32 $0xFFFFE000  }
0x90: {  	_ =	swait.ge [sflag:s1], $0x2000  }
0x91: {  	[sflag:s1] =	ssyncset.done $0x0  }
0x92: {  	[sflag:s1] =	ssyncadd.s32 $0xFFFFE000  }
0x93: {  	_ =	swait.ge [sflag:s1], $0x2000  }
0x94: {  	[sflag:s1] =	ssyncset.done $0x0  }
0x95: {  	[sflag:s1] =	ssyncadd.s32 $0xFFFFE000  }
0x96: {  	_ =	swait.ge [sflag:s1], $0x2000  }
0x97: {  	s6 =	rddreg [dreg:$0x5];
	[sflag:s1] =	ssyncset.done $0x0  }
0x98: {  	s5 =	rddreg [dreg:$0x8];
	[sflag:s1] =	ssyncadd.s32 $0xFFFFE000;
	s4 =	sadd.s32 s29, s6  }
0x99: {  	[hbm4b:s4+s2] =	stream.linear.scatter [tilespmem:s23], [sflag:$0x4], $0x2000, $0x38;
	[tilespmem:$0x13400] =	vst v63  }
0x9a: {  	s6 =	rddreg [dreg:$0x7];
	s4 =	sadd.s32 s29, s5  }
0x9b: {  	[hbm4b:s4+s2] =	stream.linear.scatter [tilespmem:s25], [sflag:$0x4], $0x2000, $0x38;
	[tilespmem:$0x13400] =	vst v63  }
0x9c: {  	s5 =	rddreg [dreg:$0x6];
	s6 =	sadd.s32 s29, s6  }
0x9d: {  	[hbm4b:s6+s2] =	stream.linear.scatter [tilespmem:s28], [sflag:$0x4], $0x2000, $0x38;
	[tilespmem:$0x13400] =	vst v63  }
0x9e: {  	s6 =	sadd.s32 s29, s5  }
0x9f: {  	[hbm4b:s6+s2] =	stream.linear.scatter [tilespmem:s30], [sflag:$0x4], $0x2000, $0x38;
	[tilespmem:$0x13400] =	vst v63  }
0xa0: {  	_ =	swait.ge [sflag:s0], $0x2000  }
0xa1: {  	[sflag:s0] =	ssyncset.done $0x0  }
0xa2: {  	[sflag:s0] =	ssyncadd.s32 $0xFFFFE000  }
0xa3: {  	_ =	swait.ge [sflag:s0], $0x2000  }
0xa4: {  	[sflag:s0] =	ssyncset.done $0x0  }
0xa5: {  	[sflag:s0] =	ssyncadd.s32 $0xFFFFE000  }
0xa6: {  	_ =	swait.ge [sflag:s0], $0x2000  }
0xa7: {  	[sflag:s0] =	ssyncset.done $0x0  }
0xa8: {  	[sflag:s0] =	ssyncadd.s32 $0xFFFFE000  }
0xa9: {  	_ =	swait.ge [sflag:s0], $0x2000  }
0xaa: {  	[sflag:s0] =	ssyncset.done $0x0  }
0xab: {  	s29 =	sadd.s32 $0xFFFFFC80, s26;
	[sflag:s0] =	ssyncadd.s32 $0xFFFFE000  }
0xac: {  	[tilespmem:s16], [sflag:$0x1] =	stream.indirect.gather [hbm4b:s3+s15], $0x40, s29, s15, $0xb8;
	[tilespmem:$0x13400] =	vst v63  }
0xad: {  	s5 =	sadd.s32 $0xFFFFFD00, s26  }
0xae: {  	[tilespmem:s17], [sflag:$0x1] =	stream.indirect.gather [hbm4b:s3+s15], $0x40, s5, s15, $0xb8;
	[tilespmem:$0x13400] =	vst v63  }
0xaf: {  	s6 =	sadd.s32 $0xFFFFFD80, s26  }
0xb0: {  	[tilespmem:s19], [sflag:$0x1] =	stream.indirect.gather [hbm4b:s3+s15], $0x40, s6, s15, $0xb8;
	[tilespmem:$0x13400] =	vst v63  }
0xb1: {  	s29 =	sadd.s32 $0xFFFFFE00, s26  }
0xb2: {  	[tilespmem:s21], [sflag:$0x1] =	stream.indirect.gather [hbm4b:s3+s15], $0x40, s29, s15, $0xb8;
	[tilespmem:$0x13400] =	vst v63  }
0xb3: {  	_ =	swait.ge [sflag:s18], $0x2000  }
0xb4: {  	[sflag:s18] =	ssyncset.done $0x0  }
0xb5: {  	[sflag:s18] =	ssyncadd.s32 $0xFFFFE000  }
0xb6: {  	_ =	swait.ge [sflag:s18], $0x2000  }
0xb7: {  	[sflag:s18] =	ssyncset.done $0x0  }
0xb8: {  	[sflag:s18] =	ssyncadd.s32 $0xFFFFE000  }
0xb9: {  	_ =	swait.ge [sflag:s18], $0x2000  }
0xba: {  	[sflag:s18] =	ssyncset.done $0x0  }
0xbb: {  	[sflag:s18] =	ssyncadd.s32 $0xFFFFE000  }
0xbc: {  	_ =	swait.ge [sflag:s18], $0x2000  }
0xbd: {  	[sflag:s18] =	ssyncset.done $0x0  }
0xbe: {  	p0 =	sne.s32 s24, $0x16000;
	s5 =	sadd.s32 $0xFFFFFE80, s26;
	[sflag:s18] =	ssyncadd.s32 $0xFFFFE000  }
0xbf: {  	[tilespmem:s23], [sflag:$0x2] =	stream.indirect.gather [hbm4b:s3+s15], $0x40, s5, s15, $0xb8;
	[tilespmem:$0x13400] =	vst v63  }
.Ltmp0:
0xc0: {  	_ = 	snop;
	(pc) =	sbr.rel @p0 .LBB2_2-.Ltmp0, $4  }
0xc1: {  	s22 =	smov.u32 s26;
	s6 =	sadd.s32 $0xFFFFFF00, s26  }
0xc2: {  	[tilespmem:s25], [sflag:$0x2] =	stream.indirect.gather [hbm4b:s3+s15], $0x40, s6, s15, $0xb8;
	[tilespmem:$0x13400] =	vst v63  }
0xc3: {  	s24 =	sadd.s32 $0x2000, s24;
	s29 =	sadd.s32 $0xFFFFFF80, s26;
	s26 =	sadd.s32 $0x400, s26  }
0xc4: {  	[tilespmem:s28], [sflag:$0x2] =	stream.indirect.gather [hbm4b:s3+s15], $0x40, s29, s15, $0xb8;
	[tilespmem:$0x13400] =	vst v63  }
0xc5: {  	[tilespmem:s30], [sflag:$0x2] =	stream.indirect.gather [hbm4b:s3+s15], $0x40, s22, s15, $0xb8;
	[tilespmem:$0x13400] =	vst v63  }
0xc6: {  	_ =	swait.ge [sflag:s31], $0x2000  }
0xc7: {  	[sflag:s31] =	ssyncset.done $0x0  }
0xc8: {  	[sflag:s31] =	ssyncadd.s32 $0xFFFFE000  }
0xc9: {  	_ =	swait.ge [sflag:s31], $0x2000  }
0xca: {  	[sflag:s31] =	ssyncset.done $0x0  }
0xcb: {  	[sflag:s31] =	ssyncadd.s32 $0xFFFFE000  }
0xcc: {  	_ =	swait.ge [sflag:s31], $0x2000  }
0xcd: {  	[sflag:s31] =	ssyncset.done $0x0  }
0xce: {  	[sflag:s31] =	ssyncadd.s32 $0xFFFFE000  }
0xcf: {  	_ =	swait.ge [sflag:s31], $0x2000  }
0xd0: {  	[sflag:s31] =	ssyncset.done $0x0  }
0xd1: {  	s4 =	rddreg [dreg:$0xd];
	[sflag:s31] =	ssyncadd.s32 $0xFFFFE000  }
0xd2: {  	[hbm4b:s4+s2] =	stream.linear.scatter [tilespmem:s16], [sflag:$0x3], $0x2000, $0x38;
	[tilespmem:$0x13400] =	vst v63  }
0xd3: {  	s29 =	rddreg [dreg:$0xe]  }
0xd4: {  	[hbm4b:s29+s2] =	stream.linear.scatter [tilespmem:s17], [sflag:$0x3], $0x2000, $0x38;
	[tilespmem:$0x13400] =	vst v63  }
0xd5: {  	_ = 	snop  }
0xd6: {  	[hbm4b:s7+s2] =	stream.linear.scatter [tilespmem:s19], [sflag:$0x3], $0x2000, $0x38;
	[tilespmem:$0x13400] =	vst v63  }
0xd7: {  	_ = 	snop  }
0xd8: {  	[hbm4b:s8+s2] =	stream.linear.scatter [tilespmem:s21], [sflag:$0x3], $0x2000, $0x38;
	[tilespmem:$0x13400] =	vst v63  }
0xd9: {  	_ =	swait.ge [sflag:s1], $0x2000  }
0xda: {  	[sflag:s1] =	ssyncset.done $0x0  }
0xdb: {  	[sflag:s1] =	ssyncadd.s32 $0xFFFFE000  }
0xdc: {  	_ =	swait.ge [sflag:s1], $0x2000  }
0xdd: {  	[sflag:s1] =	ssyncset.done $0x0  }
0xde: {  	[sflag:s1] =	ssyncadd.s32 $0xFFFFE000  }
0xdf: {  	_ =	swait.ge [sflag:s1], $0x2000  }
0xe0: {  	[sflag:s1] =	ssyncset.done $0x0  }
0xe1: {  	[sflag:s1] =	ssyncadd.s32 $0xFFFFE000  }
0xe2: {  	_ =	swait.ge [sflag:s1], $0x2000  }
0xe3: {  	[sflag:s1] =	ssyncset.done $0x0  }
0xe4: {  	[sflag:s1] =	ssyncadd.s32 $0xFFFFE000  }
0xe5: {  	[hbm4b:s9+s2] =	stream.linear.scatter [tilespmem:s23], [sflag:$0x4], $0x2000, $0x38;
	[tilespmem:$0x13400] =	vst v63  }
0xe6: {  	_ = 	snop  }
0xe7: {  	[hbm4b:s10+s2] =	stream.linear.scatter [tilespmem:s25], [sflag:$0x4], $0x2000, $0x38;
	[tilespmem:$0x13400] =	vst v63  }
0xe8: {  	_ = 	snop  }
0xe9: {  	[hbm4b:s11+s2] =	stream.linear.scatter [tilespmem:s28], [sflag:$0x4], $0x2000, $0x38;
	[tilespmem:$0x13400] =	vst v63  }
0xea: {  	_ = 	snop  }
0xeb: {  	[hbm4b:s12+s2] =	stream.linear.scatter [tilespmem:s30], [sflag:$0x4], $0x2000, $0x38;
	[tilespmem:$0x13400] =	vst v63  }
0xec: {  	_ =	swait.ge [sflag:s0], $0x2000  }
0xed: {  	[sflag:s0] =	ssyncset.done $0x0  }
0xee: {  	[sflag:s0] =	ssyncadd.s32 $0xFFFFE000  }
0xef: {  	_ =	swait.ge [sflag:s0], $0x2000  }
0xf0: {  	[sflag:s0] =	ssyncset.done $0x0  }
0xf1: {  	[sflag:s0] =	ssyncadd.s32 $0xFFFFE000  }
0xf2: {  	_ =	swait.ge [sflag:s0], $0x2000  }
0xf3: {  	[sflag:s0] =	ssyncset.done $0x0  }
0xf4: {  	[sflag:s0] =	ssyncadd.s32 $0xFFFFE000  }
0xf5: {  	_ =	swait.ge [sflag:s0], $0x2000  }
0xf6: {  	[sflag:s0] =	ssyncset.done $0x0  }
0xf7: {  	[sflag:s0] =	ssyncadd.s32 $0xFFFFE000  }
0xf8: {  	_ =	swait.ge [sflag:s18], $0x2000  }
0xf9: {  	[sflag:s18] =	ssyncset.done $0x0  }
0xfa: {  	[sflag:s18] =	ssyncadd.s32 $0xFFFFE000  }
0xfb: {  	_ =	swait.ge [sflag:s18], $0x2000  }
0xfc: {  	[sflag:s18] =	ssyncset.done $0x0  }
0xfd: {  	s20 =	sadd.s32 $0x1, s20;
	[sflag:s18] =	ssyncadd.s32 $0xFFFFE000  }
0xfe: {  	p0 =	sne.s32 s20, s13;
	_ =	swait.ge [sflag:s18], $0x2000  }
.Ltmp1:
0xff: {  	[sflag:s18] =	ssyncset.done $0x0;
	(pc) =	sbr.rel @p0 .LBB2_1-.Ltmp1, $4  }
0x100: {  	[sflag:s18] =	ssyncadd.s32 $0xFFFFE000  }
0x101: {  	_ =	swait.ge [sflag:s18], $0x2000  }
0x102: {  	[sflag:s18] =	ssyncset.done $0x0  }
0x103: {  	[sflag:s18] =	ssyncadd.s32 $0xFFFFE000  }
0x104: {  	_ =	sfence.sel $0x180000  }
0x105: {  	[bflag:$0x0] =	sbarrier.arrive $0xFFFF  }
0x106: {  	_ =	strace $0x90000047  }
0x107: {  	s0 =	stileid.u32;
	[bflag:$0x2] =	sbarrier.arrive $0xFFFF  }
0x108: {  	p0 =	sne.s32 s0, $0x0;
	s0 =	rddreg [dreg:$0x3]  }
0x109: {  	s0 =	sadd.s32 @!p0 $0x100000, s0  }
0x10a: {  	[sflag:s0] =	ssyncadd.tile.s32 @!p0 $0x1;
	_ =	shalt  }
.Lfunc_end2:
_tile_overlayer_lowered:
.L_overlay_start_2:
0x10b: {  	(tag) =	ssettag $0x2  }
0x10c: {  	s0 =	rddreg [dreg:$0x0];
	s2 =	stileid.u32  }
0x10d: {  	s1 =	rddreg [dreg:$0x1];
	p0 =	sne.s32 s2, $0x0  }
0x10e: {  	s3 =	rddreg [dreg:$0x2];
	[bflag:$0x3] =	sbarrier.arrive $0xFFFF;
	s2 =	simm.s32 @!p0 $0x1C05  }
0x10f: {  	[timem:s3], [sflag:s2] =	dma.local @!p0 [hbm:s0], s1  }
0x110: {  	s0 =	simm.s32 @!p0 $0x5  }
0x111: {  	_ =	swait.ge @!p0 [sflag:s0], s1  }
0x112: {  	s1 =	ssub.s32 @!p0 $0x0, s1;
	[sflag:s0] =	ssyncset.done @!p0 $0x0  }
0x113: {  	[sflag:s0] =	ssyncadd.s32 @!p0 s1  }
0x114: {  	[bflag:$0x3] =	sbarrier.arrive $0xFFFF  }
0x115: {  	_ =	shalt  }

// kernel: sparse-core-data-format-call.cloned.1.call-start
scs
called_computation_lowered:
.L_overlay_start_0:
0x0: {  	s2 =	sld [smem:$0x3FD9]  }
0x1: {  	s3 =	sld [smem:$0x3FFE];
	_ =	sdelay $0x1  }
0x2: {  	s1 =	srdreg.scid  }
0x3: {  	s0 =	sand.u32 $0x1, s1  }
0x4: {  	s18 =	sshll.u32 s0, $0xA;
	s2 =	sadd.s32 s3, s2  }
0x5: {  	s2 =	sadd.s32 s2, s18  }
0x6: {  	[smem:$0x3FC6] =	sst s2  }
0x7: {  	_ = 	snop  }
0x8: {  	s2 =	sld [smem:$0x3FD0];
	(tm) =	ssettm $0x1  }
0x9: {  	s19 =	sld [smem:$0x3FFB];
	_ =	sdelay $0x3  }
0xa: {  	_ =	strace s19  }
0xb: {  	s3 =	sld [smem:$0x3FFC];
	_ =	sdelay $0x3  }
0xc: {  	_ =	strace s3  }
0xd: {  	s3 =	sld [smem:$0x3FFD];
	_ =	sdelay $0x3  }
0xe: {  	_ =	strace s3  }
0xf: {  	_ =	strace $0x8FFFFFFF  }
0x10: {  	s20 =	sld [smem:$0x3FDB];
	_ =	sdelay $0x1  }
0x11: {  	s4 =	simm.s32 $_scs_section_size  }
0x12: {  	s5 =	simm.s32 $_size__tile_overlayer_lowered;
	s6 =	simm.s32 $_tile_overlayer_lowered  }
0x13: {  	s23 =	simm.s32 $0x1BFF;
	s22 =	sshll.u32 s6, $0x1;
	s3 =	sadd.s32 s4, s20  }
0x14: {  	s7 =	simm.s32 $0x0;
	s21 =	sshll.u32 s5, $0x1;
	s5 =	sadd.s32 s22, s3  }
0x15: {  	[timem:s7], [sflag:s23] =	dma.local [hbm:s5], s21  }
0x16: {  	_ =	swait.ge [sflag:s23], s21  }
0x17: {  	s4 =	ssub.s32 $0x0, s21;
	[sflag:s23] =	ssyncset.done $0x0  }
0x18: {  	[sflag:s23] =	ssyncadd.s32 s4;
	_ =	sdelay $0x1  }
0x19: {  	s24 =	simm.s32 $0x1B8B  }
0x1a: {  	_ =	swait.ge [sflag:s24], $0x1  }
0x1b: {  	[sflag:s24] =	ssyncset.done $0x0  }
0x1c: {  	s26 =	simm.s32 $0x1B8E;
	s25 =	sld [smem:$0x3FFE];
	[sflag:s24] =	ssyncadd.s32 $0xFFFFFFFF  }
0x1d: {  	s27 =	simm.s32 $execute0_lowered;
	[smem:$0x3FD2] =	sst s26  }
0x1e: {  	s5 =	sshll.u32 s27, $0x1;
	_ =	strace $0x80000049;
	[dreg:$0x1] =	wrdreg $0xFFFFFFFF  }
0x1f: {  	s28 =	simm.s32 $_size_execute0_lowered;
	s3 =	sadd.s32 s3, s5;
	[dreg:$0x0] =	wrdreg $0x0  }
0x20: {  	s5 =	sshll.u32 s28, $0x1;
	[dreg:$0x2] =	wrdreg s3  }
0x21: {  	[dreg:$0x3] =	wrdreg s5  }
0x22: {  	[dreg:$0x4] =	wrdreg $0xC0  }
0x23: {  	_ =	task [dreg:s7], $0x5FFFF  }
0x24: {  	[dreg:$0x1] =	wrdreg $0xFFFFFFFF  }
0x25: {  	[dreg:$0x0] =	wrdreg $0x60  }
0x26: {  	[dreg:$0x2] =	wrdreg s25  }
0x27: {  	[dreg:$0x3] =	wrdreg s2  }
0x28: {  	[dreg:$0x4] =	wrdreg $0x9  }
0x29: {  	_ =	task.clear_ibuf [dreg:s7], $0x5FFFF;
	_ =	strace $0x90000049  }
0x2a: {  	s29 =	simm.s32 $0x9;
	_ =	strace $0x8000004B  }
0x2b: {  	_ =	swait.ge [sflag:s29], $0x1  }
0x2c: {  	[sflag:s29] =	ssyncadd.s32 $0xFFFFFFFF  }
0x2d: {  	_ =	strace $0x9000004B  }
0x2e: {  	_ =	sfence  }
0x2f: {  	s30 =	sld [smem:$0x0];
	_ =	sdelay $0x2  }
0x30: {  	s31 =	sshll.u32 s1, $0xD;
	s1 =	sshrl.u32 s1, $0x2  }
0x31: {  	s3 =	sand.u32 $0x4000, s31;
	s1 =	sadd.s32 s1, s30  }
0x32: {  	s0 =	sor.u32 s3, s0;
	s1 =	sshll.u32 s1, $0x11  }
0x33: {  	s0 =	sor.u32 s1, s0  }
0x34: {  	s0 =	sadd.s32 $0x8F2B, s0  }
0x35: {  	[sflag:s0] =	ssyncadd.remote.s32 $0x1  }
0x36: {  	_ =	sfence.sel $0xFFFF  }
0x37: {  	[dreg:$0x0] =	wrdreg $0xFFFFFFFF;
	(pc) =	sbr.abs _section_cstart, $3  }
0x38: {  	[dreg:$0x1] =	wrdreg $0xFFFFFFFF  }
0x39: {  	_ =	task.clear_ibuf [dreg:s7], $0x2FFFF;
	_ =	strace $0x9FFFFFFF  }
0x3a: {  	(tm) =	ssettm $0x7FFFFFFF  }
0x3b: {  	_ =	shalt  }
tec
execute0_lowered:
.L_overlay_start_1:
0x0: {  	(tag) =	ssettag $0x1  }
0x1: {  	s0 =	srdreg.scid  }
0x2: {  	s1 =	sshll.u32 s0, $0x4  }
0x3: {  	s4 =	rddreg [dreg:$0x0];
	s0 =	stileid.u32;
	s1 =	sand.u32 $0x10, s1  }
0x4: {  	s2 =	rddreg [dreg:$0x1];
	s7 =	simm.s32 $0x1;
	s1 =	sor.u32 s0, s1  }
0x5: {  	s8 =	simm.s32 $0x2;
	s11 =	simm.s32 $0x0;
	s3 =	sshll.u32 s1, $0x7  }
0x6: {  	s10 =	simm.s32 $0x0;
	s4 =	sadd.s32 $0x800, s4;
	s6 =	ssub.s32 $0x68000, s3  }
.Ltmp0:
0x7: {  	s1 =	rddreg [dreg:$0x2];
	s5 =	sand.u32 $0xF80, s6;
	(pc) =	sbr.rel .LBB1_1-.Ltmp0, $4  }
0x8: {  	_ =	strace $0x8000004A;
	s9 =	smov.u32 s3;
	p0 =	sne.s32 s5, $0x0  }
0x9: {  	s6 =	sshrl.u32 s6, $0xC;
	s5 =	simm.s32 $0x1;
	s7 =	simm.s32 @!p0 $0x0  }
0xa: {  	[sflag:s5] =	ssyncpa.u1 $0x0;
	p0 =	por $0x0, $0x0;
	s6 =	sadd.s32 s7, s6  }
0xb: {  	[sflag:s8] =	ssyncpa.u1 $0x0;
	s8 =	simm.s32 $0x340000;
	s7 =	sadd.s32 $0x1, s6  }
.LBB1_4:
0xc: {  	s14 =	sshll.u32 s11, $0x3  }
0xd: {  	s30 =	sand.u32 $0x7F, s11;
	s15 =	sand.u32 $0xFFFFFC00, s14  }
0xe: {  	s11 =	sor.u32 s30, s15  }
0xf: {  	s15 =	smulhi.u32 $0x4EC4EC4F, s11  }
0x10: {  	s14 =	smulhi.u32 $0x4EC4EC4F, s14  }
0x11: {  	s15 =	sshrl.u32 s15, $0x11  }
0x12: {  	s14 =	sshrl.u32 s14, $0x11;
	s15 =	smul.u32 $0x68000, s15  }
0x13: {  	s14 =	sand.u32 $0x3F, s14  }
0x14: {  	s14 =	smul.u32 $0xD000, s14;
	s11 =	ssub.s32 s11, s15  }
0x15: {  	[tilespmem:s13+$0x810 ss:$0x81] =	vst.msk $0xffff, v2;
	s15 =	sand.u32 $0x7, s11  }
0x16: {  	[tilespmem:s13+$0x1020 ss:$0x81] =	vst.msk $0xffff, v0;
	s14 =	sadd.s32 s2, s14;
	s11 =	sshrl.u32 s11, $0x3;
	s15 =	sshll.u32 s15, $0x12  }
0x17: {  	[tilespmem:s13+$0x0 ss:$0x81] =	vst.msk $0xffff, v1;
	s11 =	sadd.s32 s11, s14;
	s31 =	sor.u32 $0x400, s15  }
0x18: {  	[hbm4b:s11+s31] =	stream.strided.scatter [tilespmem:s12], [sflag:$0x2], $0x2000, s8, s31, $0x20;
	[tilespmem:$0x8080] =	vst v63  }
.LBB1_5:
0x19: {  	s13 =	sadd.s32 $0x1000, s9  }
0x1a: {  	p2 =	sgt.s32 s13, $0x67FFF  }
0x1b: {  	s13 =	smov.u32 @p2 s3;
	p2 =	sne.s32 s10, s7  }
.Ltmp1:
0x1c: {  	p1 =	slt.u32 s10, $0x2;
	(pc) =	sbr.rel @!p2 .LBB1_6-.Ltmp1, $4  }
0x1d: {  	s12 =	simm.s32 @!p1 $0x2  }
0x1e: {  	s14 =	sadd.s32 $0x1, s10;
	_ =	swait.ge @!p1 [sflag:s12], $0x2000  }
0x1f: {  	s11 =	smov.u32 s9;
	p0 =	por !p0, !p0;
	[sflag:s12] =	ssyncset.done @!p1 $0x0  }
0x20: {  	s10 =	smov.u32 s14;
	s9 =	smov.u32 s13;
	[sflag:s12] =	ssyncadd.s32 @!p1 $0xFFFFE000  }
.LBB1_1:
0x21: {  	p1 =	sge.u32 s10, s6  }
0x22: {  	s12 =	sand.u32 @!p1 $0x1FFFFFF, s9  }
0x23: {  	s13 =	smulhi.u32 @!p1 $0x2762763, s12;
	_ =	sdelay $0x1  }
0x24: {  	s13 =	sshrl.u32 @!p1 s13, $0xC  }
0x25: {  	s13 =	smul.u32 @!p1 $0x68000, s13;
	_ =	sdelay $0x1  }
0x26: {  	s31 =	sadd.s32 $0xFFFFFFFF, s10;
	s14 =	sxor.u32 @!p1 $0xFFFFFFFF, s10;
	s12 =	ssub.s32 @!p1 s12, s13  }
0x27: {  	s15 =	simm.s32 @!p1 $0x80;
	s14 =	sshll.u32 @!p1 s14, $0xD;
	s12 =	sshll.u32 @!p1 s12, $0x4  }
0x28: {  	s13 =	sand.u32 @!p1 $0x2000, s14;
	s14 =	simm.s32 @!p1 $0x40;
	s12 =	sadd.s32 @!p1 s4, s12  }
0x29: {  	[tilespmem:s13], [sflag:$0x1] =	stream.strided.gather @!p1 [hbm4b:s12+s14], $0x2000, s15, s14, $0x38;
	[tilespmem:$0x8080] =	vst v63  }
0x2a: {  	p1 =	sge.u32 s31, s6  }
.Ltmp2:
0x2b: {  	_ = 	snop;
	(pc) =	sbr.rel @p1 .LBB1_5-.Ltmp2, $1  }
0x2c: {  	_ =	sdelay $0x3  }
0x2d: {  	s12 =	simm.s32 $0x1  }
0x2e: {  	_ =	swait.ge [sflag:s5], $0x2000;
	s12 =	simm.s32 @!p0 $0x0  }
0x2f: {  	[sflag:s5] =	ssyncset.done $0x0;
	s13 =	sshll.u32 s12, $0xD  }
0x30: {  	[sflag:s5] =	ssyncadd.s32 $0xFFFFE000;
	s16 =	sor.u32 $0x20, s13  }
0x31: {  	s12 =	smul.u32 $0x8100, s12;
	v3 =	vld [tilespmem:s16+$0x10]  }
0x32: {  	s30 =	sand.u32 $0x1, s10;
	v2 =	vld [tilespmem:s16+$0xFFFFFFF0]  }
0x33: {  	s13 =	smul.u32 $0x8100, s30;
	s12 =	sshrl.u32 s12, $0x2;
	v0 =	vld [tilespmem:s16+$0x0]  }
0x34: {  	v1 =	vld [tilespmem:s16+$0xFFFFFFE0];
	s14 =	sor.u32 $0x4000, s12  }
0x35: {  	s31 =	sshrl.u32 s13, $0x2;
	s13 =	sadd.s32 $0x0, s14  }
0x36: {  	s15 =	simm.s32 $0x4;
	s16 =	sadd.s32 $0x40, s16;
	s12 =	sor.u32 $0x4000, s31;
	[tilespmem:s13+$0x1830 ss:$0x81] =	vst.msk $0xffff, v3  }
.LBB1_3:
0x37: {  	v3 =	vld [tilespmem:s16+$0x10];
	p1 =	sne.s32 s15, $0x1FC;
	[tilespmem:s13+$0x810 ss:$0x81] =	vst.msk $0xffff, v2;
	s17 =	smov.u32 s15;
	s15 =	sadd.s32 $0x4, s15  }
.Ltmp3:
0x38: {  	v2 =	vld [tilespmem:s16+$0xFFFFFFF0];
	[tilespmem:s13+$0x1020 ss:$0x81] =	vst.msk $0xffff, v0;
	(pc) =	sbr.rel @p1 .LBB1_3-.Ltmp3, $4  }
0x39: {  	v0 =	vld [tilespmem:s16+$0x0];
	[tilespmem:s13+$0x0 ss:$0x81] =	vst.msk $0xffff, v1  }
0x3a: {  	s13 =	sshra.s32 s17, $0x2;
	v1 =	vld [tilespmem:s16+$0xFFFFFFE0]  }
0x3b: {  	s13 =	sadd.s32 s13, s14  }
0x3c: {  	s16 =	sadd.s32 $0x40, s16;
	[tilespmem:s13+$0x1830 ss:$0x81] =	vst.msk $0xffff, v3  }
.Ltmp4:
0x3d: {  	_ = 	snop;
	(pc) =	sbr.rel .LBB1_4-.Ltmp4, $1  }
0x3e: {  	_ =	sdelay $0x3  }
.LBB1_6:
0x3f: {  	_ =	sfence.sel $0x180000  }
0x40: {  	s2 =	simm.s32 $0x1;
	[bflag:$0x0] =	sbarrier.arrive $0xFFFF  }
0x41: {  	s31 =	simm.s32 $0x2;
	[sflag:s2] =	ssyncpa.u1 $0x1  }
0x42: {  	[sflag:s31] =	ssyncpa.u1 $0x1  }
0x43: {  	p0 =	sne.s32 s0, $0x0;
	_ =	strace $0x9000004A  }
0x44: {  	s0 =	sadd.s32 @!p0 $0x100000, s1;
	[bflag:$0x2] =	sbarrier.arrive $0xFFFF  }
0x45: {  	[sflag:s0] =	ssyncadd.tile.s32 @!p0 $0x1;
	_ =	shalt  }
.Lfunc_end1:
_tile_overlayer_lowered:
.L_overlay_start_2:
0x46: {  	(tag) =	ssettag $0x2  }
0x47: {  	s0 =	rddreg [dreg:$0x0];
	s2 =	stileid.u32  }
0x48: {  	s1 =	rddreg [dreg:$0x1];
	p0 =	sne.s32 s2, $0x0  }
0x49: {  	s3 =	rddreg [dreg:$0x2];
	[bflag:$0x3] =	sbarrier.arrive $0xFFFF;
	s2 =	simm.s32 @!p0 $0x1C01  }
0x4a: {  	[timem:s3], [sflag:s2] =	dma.local @!p0 [hbm:s0], s1  }
0x4b: {  	s0 =	simm.s32 @!p0 $0x1  }
0x4c: {  	_ =	swait.ge @!p0 [sflag:s0], s1  }
0x4d: {  	s1 =	ssub.s32 @!p0 $0x0, s1;
	[sflag:s0] =	ssyncset.done @!p0 $0x0  }
0x4e: {  	[sflag:s0] =	ssyncadd.s32 @!p0 s1  }
0x4f: {  	[bflag:$0x3] =	sbarrier.arrive $0xFFFF  }
0x50: {  	_ =	shalt  }

</sc_bundles>
